<compile_context>
chip_gen: v7x
topology: tpu7x:2x2x1
jax: 0.10.2.dev20260603
libtpu: 0.0.44.dev20260713+nightly
codegen_flags: <defaults>
</compile_context>

<pallas_src>
import dataclasses
import functools

import jax
import jax.numpy as jnp
from jax import lax
from jax.experimental import pallas as pl
from jax.experimental.pallas import tpu as pltpu
from jax.experimental.pallas import tpu_sc as plsc

NUM_CORES = 2
NUM_SUBCORES = 16
NW = NUM_CORES * NUM_SUBCORES
L = 16

IN_F = 2048
OUT_F = 2048
IN_GROUP = 8
GROUPS = IN_F // IN_GROUP
ROWS_PER_W = OUT_F // NW
CHUNK_R = 16
N_CHUNKS = ROWS_PER_W // CHUNK_R


def _dequant_body(codes_hbm, table_hbm, scales_hbm, w_hbm,
                  codes_v, table_v, scales_v, wv):
    cid = lax.axis_index("c")
    sid = lax.axis_index("s")
    wid = sid * NUM_CORES + cid
    row0 = wid * ROWS_PER_W

    pltpu.sync_copy(table_hbm, table_v)
    pltpu.sync_copy(scales_hbm.at[pl.ds(row0 * 1, ROWS_PER_W)], scales_v)

    iota = lax.iota(jnp.int32, L)
    rep = iota >> 3
    cols = iota & 7
    NU = GROUPS // 2
    PIPE = 3

    @pl.loop(0, N_CHUNKS)
    def _chunk(c):
        base_row = row0 + c * CHUNK_R
        pltpu.sync_copy(
            codes_hbm.at[pl.ds(base_row * 2 * GROUPS, CHUNK_R * 2 * GROUPS)],
            codes_v)

        @pl.loop(0, CHUNK_R)
        def _row(r):
            lrow = c * CHUNK_R + r
            scale_vec = plsc.load_gather(
                scales_v, [jnp.broadcast_to(lrow, (L,))])
            pat_row = 2 * rep + r * 2 * GROUPS

            UNR = 16

            @pl.loop(0, NU, step=UNR)
            def _unit(k0):
                pend = {}

                def _fetch(u):
                    pat = pat_row + 4 * (k0 + u)
                    return (plsc.load_gather(codes_v, [pat]),
                            plsc.load_gather(codes_v, [pat + 1]))

                for u in range(PIPE):
                    pend[u] = _fetch(u)
                for u in range(UNR):
                    if u + PIPE < UNR:
                        pend[u + PIPE] = _fetch(u + PIPE)
                    r0, r1 = pend.pop(u)
                    a = plsc.load_gather(table_v, [r0, cols])
                    b = plsc.load_gather(table_v, [r1, cols])
                    w = (a + b) * scale_vec
                    wv[pl.ds(r * IN_F + (k0 + u) * L, L)] = w

        pltpu.sync_copy(wv, w_hbm.at[pl.ds(base_row * IN_F, CHUNK_R * IN_F)])


def _dequant_sc(codes_comb, table_flat, scales_flat):
    mesh = plsc.VectorSubcoreMesh(core_axis_name="c", subcore_axis_name="s")
    cp = pltpu.CompilerParams()
    if "needs_layout_passes" in pltpu.CompilerParams.__dataclass_fields__:
        cp = dataclasses.replace(cp, needs_layout_passes=False)
    f = pl.kernel(
        _dequant_body,
        out_type=jax.ShapeDtypeStruct((OUT_F * IN_F,), jnp.float32),
        mesh=mesh,
        scratch_types=[
            pltpu.VMEM((CHUNK_R * 2 * GROUPS,), jnp.int32),
            pltpu.VMEM((2 * 256, IN_GROUP), jnp.float32),
            pltpu.VMEM((ROWS_PER_W,), jnp.float32),
            pltpu.VMEM((CHUNK_R * IN_F,), jnp.float32),
        ],
        compiler_params=cp,
    )
    return f(codes_comb, table_flat, scales_flat)


BN = 512


def _mm_body(x_ref, w_ref, b_ref, o_ref):
    o_ref[...] = lax.dot_general(
        x_ref[...], w_ref[...], (((1,), (1,)), ((), ())),
        preferred_element_type=jnp.float32) + b_ref[...]


def _matmul_tc(x2, w, bias2):
    return pl.pallas_call(
        _mm_body,
        grid=(OUT_F // BN,),
        in_specs=[
            pl.BlockSpec((x2.shape[0], IN_F), lambda j: (0, 0)),
            pl.BlockSpec((BN, IN_F), lambda j: (j, 0)),
            pl.BlockSpec((1, BN), lambda j: (0, j)),
        ],
        out_specs=pl.BlockSpec((x2.shape[0], BN), lambda j: (0, j)),
        out_shape=jax.ShapeDtypeStruct((x2.shape[0], OUT_F), jnp.float32),
    )(x2, w, bias2)


def kernel(x, codes, codebooks, scales, bias):
    offs = jnp.tile(jnp.array([0, 256], jnp.int32), GROUPS)
    codes_comb = (codes.reshape(OUT_F, 2 * GROUPS) + offs[None, :]).reshape(-1)
    table_flat = codebooks.reshape(2 * 256, IN_GROUP)
    scales_flat = scales.reshape(OUT_F)
    wflat = _dequant_sc(codes_comb, table_flat, scales_flat)
    w = wflat.reshape(OUT_F, IN_F)
    seq = x.shape[0] * x.shape[1]
    out = _matmul_tc(x.reshape(seq, IN_F), w, bias.reshape(1, OUT_F))
    return out.reshape(x.shape[0], x.shape[1], OUT_F)

# --- scband reference (transcript-rebuilt; emitter-appended) ---
"""Pipeline reference for scband-quantized-linear-31241592111614 (READ-ONLY COPY).

The authoritative reference and input builder live on the scoring server;
editing this copy changes nothing except your own understanding.
"""

import jax, jax.numpy as jnp
import numpy as np

IN_FEATURES = 2048
OUT_FEATURES = 2048
IN_GROUP = 8
OUT_GROUP = 1
NUM_CODEBOOKS = 2
CODEBOOK_SIZE = 256
NUM_IN_GROUPS = IN_FEATURES // IN_GROUP
NUM_OUT_GROUPS = OUT_FEATURES // OUT_GROUP


def _dequantize_weight(codes, codebooks, scales):
    # codes: [num_out_groups, num_in_groups, num_codebooks] int
    # codebooks: [num_codebooks, codebook_size, out_group_size, in_group_size]
    # scales: broadcastable with [num_out_groups, num_in_groups, out_group_size, in_group_size]
    num_codebooks, codebook_size, out_group_size, in_group_size = codebooks.shape
    num_out_groups, num_in_groups, _ = codes.shape
    codebook_offsets = jnp.arange(num_codebooks, dtype=codes.dtype) * codebook_size
    flat_codebooks = codebooks.reshape(num_codebooks * codebook_size, out_group_size * in_group_size)
    idx = codes.reshape(-1, num_codebooks) + codebook_offsets[None, :]
    # embedding_bag(mode='sum'): gather then sum over the codebook axis
    gathered = jnp.take(flat_codebooks, idx, axis=0)  # [G, num_codebooks, og*ig]
    recon_flat = gathered.sum(axis=1)  # [G, og*ig]
    recon = recon_flat.reshape(num_out_groups, num_in_groups, out_group_size, in_group_size)
    recon = recon * scales
    weight = jnp.swapaxes(recon, -3, -2).reshape(num_out_groups * out_group_size, num_in_groups * in_group_size)
    return weight


def setup_inputs(seed: int = 0) -> dict:
    key = jax.random.key(seed)
    k1, k2, k3, k4, k5 = jax.random.split(key, 5)
    x = jax.random.normal(k1, (1, 2048, IN_FEATURES), dtype=jnp.float32)
    codes = jax.random.randint(k2, (NUM_OUT_GROUPS, NUM_IN_GROUPS, NUM_CODEBOOKS), 0, CODEBOOK_SIZE, dtype=jnp.int32)
    codebooks = jax.random.normal(k3, (NUM_CODEBOOKS, CODEBOOK_SIZE, OUT_GROUP, IN_GROUP), dtype=jnp.float32) * 0.05
    scales = jax.random.uniform(k4, (NUM_OUT_GROUPS, 1, 1, 1), dtype=jnp.float32, minval=0.5, maxval=1.5)
    bias = jax.random.normal(k5, (OUT_FEATURES,), dtype=jnp.float32) * 0.01
    return {"x": x, "codes": codes, "codebooks": codebooks, "scales": scales, "bias": bias}


def reference(x, codes, codebooks, scales, bias):
    # QuantizedLinear.forward: dequantize the weight from codes, then F.linear
    weight = _dequantize_weight(codes, codebooks, scales)  # [out_features, in_features]
    out = jnp.einsum('bsi,oi->bso', x, weight) + bias
    return out

if __name__ == "__main__":
    import jax
    _d = setup_inputs()
    print(jax.jit(kernel)(*tuple(_d.values())))

</pallas_src>

<mosaic_0001>
#map = affine_map<(d0, d1) -> (0)>
#map1 = affine_map<(d0, d1) -> (0, 0)>
module attributes {stable_mosaic.version = 14 : i64} {
  func.func @_dequant_body(%arg0: i32, %arg1: i32, %arg2: memref<1048576xi32, #tpu.memory_space<hbm>>, %arg3: memref<512x8xf32, #tpu.memory_space<hbm>>, %arg4: memref<2048xf32, #tpu.memory_space<hbm>>, %arg5: memref<4194304xf32, #tpu.memory_space<hbm>>, %arg6: memref<8192xi32, #tpu.memory_space<vmem>>, %arg7: memref<512x8xf32, #tpu.memory_space<vmem>>, %arg8: memref<64xf32, #tpu.memory_space<vmem>>, %arg9: memref<32768xf32, #tpu.memory_space<vmem>>) attributes {dimension_semantics = [#tpu.dimension_semantics<core_parallel>, #tpu.dimension_semantics<subcore_parallel>], iteration_bounds = array<i64: 2, 16>, scalar_prefetch = 0 : i64, scratch_operands = 4 : i64, tpu.core_type = #tpu.core_type<sc_vector_subcore>, window_params = [{transform_indices = #map}, {transform_indices = #map1}, {transform_indices = #map}, {transform_indices = #map}]} {
    %mul3A = arith.constant 2 : i32
    %mul3A_0 = arith.muli %arg1, %mul3A : i32
    %add3A = arith.addi %mul3A_0, %arg0 : i32
    %mul3A_1 = arith.constant 64 : i32
    %mul3A_2 = arith.muli %add3A, %mul3A_1 : i32
    "tpu.region"() ({
      %run_scoped3A = tpu.sem_alloc : memref<!tpu.dma_semaphore, #tpu.memory_space<semaphore_mem>>
      tpu.enqueue_dma source(%arg3 : memref<512x8xf32, #tpu.memory_space<hbm>>) target(%arg7 : memref<512x8xf32, #tpu.memory_space<vmem>>) target_semaphore(%run_scoped3A : memref<!tpu.dma_semaphore, #tpu.memory_space<semaphore_mem>>)
      tpu.wait_dma2 semaphore(%run_scoped3A : memref<!tpu.dma_semaphore, #tpu.memory_space<semaphore_mem>>) src(%arg3 : memref<512x8xf32, #tpu.memory_space<hbm>>) dst(%arg7 : memref<512x8xf32, #tpu.memory_space<vmem>>)
      tpu.yield
    }) : () -> ()
    %mul3A_3 = arith.constant 1 : i32
    %mul3A_4 = arith.muli %mul3A_2, %mul3A_3 : i32
    "tpu.region"() ({
      %run_scoped3A = tpu.sem_alloc : memref<!tpu.dma_semaphore, #tpu.memory_space<semaphore_mem>>
      %dma_start3A = tpu.memref_slice %arg4[%mul3A_4] : memref<2048xf32, #tpu.memory_space<hbm>> -> memref<64xf32, #tpu.memory_space<hbm>>
      %dma_start3A_13 = tpu.memref_slice %arg4[%mul3A_4] : memref<2048xf32, #tpu.memory_space<hbm>> -> memref<64xf32, #tpu.memory_space<hbm>>
      tpu.enqueue_dma source(%dma_start3A_13 : memref<64xf32, #tpu.memory_space<hbm>>) target(%arg8 : memref<64xf32, #tpu.memory_space<vmem>>) target_semaphore(%run_scoped3A : memref<!tpu.dma_semaphore, #tpu.memory_space<semaphore_mem>>)
      %dma_wait3A = tpu.memref_slice %arg4[%mul3A_4] : memref<2048xf32, #tpu.memory_space<hbm>> -> memref<64xf32, #tpu.memory_space<hbm>>
      %dma_wait3A_14 = tpu.memref_slice %arg4[%mul3A_4] : memref<2048xf32, #tpu.memory_space<hbm>> -> memref<64xf32, #tpu.memory_space<hbm>>
      tpu.wait_dma2 semaphore(%run_scoped3A : memref<!tpu.dma_semaphore, #tpu.memory_space<semaphore_mem>>) src(%dma_wait3A_14 : memref<64xf32, #tpu.memory_space<hbm>>) dst(%arg8 : memref<64xf32, #tpu.memory_space<vmem>>)
      tpu.yield
    }) : () -> ()
    %iota3A = tpu.iota {dimensions = array<i32: 0>} : vector<16xi32>
    %shift_right_arithmetic3A = arith.constant 3 : i32
    %shift_right_arithmetic3A_5 = vector.broadcast %shift_right_arithmetic3A : i32 to vector<16xi32>
    %shift_right_arithmetic3A_6 = arith.shrsi %iota3A, %shift_right_arithmetic3A_5 : vector<16xi32>
    %and3A = arith.constant 7 : i32
    %and3A_7 = vector.broadcast %and3A : i32 to vector<16xi32>
    %and3A_8 = arith.andi %iota3A, %and3A_7 : vector<16xi32>
    %scan3A = arith.constant 0 : i32
    %scan3A_9 = arith.constant 4 : i32
    %scan3A_10 = arith.addi %scan3A, %scan3A_9 : i32
    %scan3A_11 = arith.constant 1 : i32
    scf.for %scan3A_13 = %scan3A to %scan3A_10 step %scan3A_11  : i32 {
      %mul3A_14 = arith.constant 1 : i32
      %mul3A_15 = arith.muli %scan3A_13, %mul3A_14 : i32
      %add3A_16 = arith.constant 0 : i32
      %add3A_17 = arith.addi %add3A_16, %mul3A_15 : i32
      %mul3A_18 = arith.constant 16 : i32
      %mul3A_19 = arith.muli %add3A_17, %mul3A_18 : i32
      %add3A_20 = arith.addi %mul3A_2, %mul3A_19 : i32
      %mul3A_21 = arith.constant 2 : i32
      %mul3A_22 = arith.muli %add3A_20, %mul3A_21 : i32
      %mul3A_23 = arith.constant 256 : i32
      %mul3A_24 = arith.muli %mul3A_22, %mul3A_23 : i32
      "tpu.region"() ({
        %run_scoped3A = tpu.sem_alloc : memref<!tpu.dma_semaphore, #tpu.memory_space<semaphore_mem>>
        %dma_start3A = tpu.memref_slice %arg2[%mul3A_24] : memref<1048576xi32, #tpu.memory_space<hbm>> -> memref<8192xi32, #tpu.memory_space<hbm>>
        %dma_start3A_32 = tpu.memref_slice %arg2[%mul3A_24] : memref<1048576xi32, #tpu.memory_space<hbm>> -> memref<8192xi32, #tpu.memory_space<hbm>>
        tpu.enqueue_dma source(%dma_start3A_32 : memref<8192xi32, #tpu.memory_space<hbm>>) target(%arg6 : memref<8192xi32, #tpu.memory_space<vmem>>) target_semaphore(%run_scoped3A : memref<!tpu.dma_semaphore, #tpu.memory_space<semaphore_mem>>)
        %dma_wait3A = tpu.memref_slice %arg2[%mul3A_24] : memref<1048576xi32, #tpu.memory_space<hbm>> -> memref<8192xi32, #tpu.memory_space<hbm>>
        %dma_wait3A_33 = tpu.memref_slice %arg2[%mul3A_24] : memref<1048576xi32, #tpu.memory_space<hbm>> -> memref<8192xi32, #tpu.memory_space<hbm>>
        tpu.wait_dma2 semaphore(%run_scoped3A : memref<!tpu.dma_semaphore, #tpu.memory_space<semaphore_mem>>) src(%dma_wait3A_33 : memref<8192xi32, #tpu.memory_space<hbm>>) dst(%arg6 : memref<8192xi32, #tpu.memory_space<vmem>>)
        tpu.yield
      }) : () -> ()
      %scan3A_25 = arith.constant 0 : i32
      %scan3A_26 = arith.constant 16 : i32
      %scan3A_27 = arith.addi %scan3A_25, %scan3A_26 : i32
      %scan3A_28 = arith.constant 1 : i32
      scf.for %scan3A_32 = %scan3A_25 to %scan3A_27 step %scan3A_28  : i32 {
        %mul3A_33 = arith.constant 1 : i32
        %mul3A_34 = arith.muli %scan3A_32, %mul3A_33 : i32
        %add3A_35 = arith.constant 0 : i32
        %add3A_36 = arith.addi %add3A_35, %mul3A_34 : i32
        %mul3A_37 = arith.constant 16 : i32
        %mul3A_38 = arith.muli %add3A_17, %mul3A_37 : i32
        %add3A_39 = arith.addi %mul3A_38, %add3A_36 : i32
        %broadcast_in_dim3A = vector.broadcast %add3A_39 : i32 to vector<16xi32>
        %gather3A = tpu.vector_load_idx %arg8[%broadcast_in_dim3A] : memref<64xf32, #tpu.memory_space<vmem>>[vector<16xi32>], vector<16xf32>,
        %mul3A_40 = arith.constant 2 : i32
        %mul3A_41 = vector.broadcast %mul3A_40 : i32 to vector<16xi32>
        %mul3A_42 = arith.muli %mul3A_41, %shift_right_arithmetic3A_6 : vector<16xi32>
        %mul3A_43 = arith.constant 2 : i32
        %mul3A_44 = arith.muli %add3A_36, %mul3A_43 : i32
        %mul3A_45 = arith.constant 256 : i32
        %mul3A_46 = arith.muli %mul3A_44, %mul3A_45 : i32
        %add3A_47 = vector.broadcast %mul3A_46 : i32 to vector<16xi32>
        %add3A_48 = arith.addi %mul3A_42, %add3A_47 : vector<16xi32>
        %scan3A_49 = arith.constant 0 : i32
        %scan3A_50 = arith.constant 8 : i32
        %scan3A_51 = arith.addi %scan3A_49, %scan3A_50 : i32
        %scan3A_52 = arith.constant 1 : i32
        scf.for %scan3A_54 = %scan3A_49 to %scan3A_51 step %scan3A_52  : i32 {
          %mul3A_55 = arith.constant 16 : i32
          %mul3A_56 = arith.muli %scan3A_54, %mul3A_55 : i32
          %add3A_57 = arith.constant 0 : i32
          %add3A_58 = arith.addi %add3A_57, %mul3A_56 : i32
          %add3A_59 = arith.constant 0 : i32
          %add3A_60 = arith.addi %add3A_58, %add3A_59 : i32
          %mul3A_61 = arith.constant 4 : i32
          %mul3A_62 = arith.muli %mul3A_61, %add3A_60 : i32
          %add3A_63 = vector.broadcast %mul3A_62 : i32 to vector<16xi32>
          %add3A_64 = arith.addi %add3A_48, %add3A_63 : vector<16xi32>
          %gather3A_65 = tpu.vector_load_idx %arg6[%add3A_64] : memref<8192xi32, #tpu.memory_space<vmem>>[vector<16xi32>], vector<16xi32>,
          %add3A_66 = arith.constant 1 : i32
          %add3A_67 = vector.broadcast %add3A_66 : i32 to vector<16xi32>
          %add3A_68 = arith.addi %add3A_64, %add3A_67 : vector<16xi32>
          %gather3A_69 = tpu.vector_load_idx %arg6[%add3A_68] : memref<8192xi32, #tpu.memory_space<vmem>>[vector<16xi32>], vector<16xi32>,
          %add3A_70 = arith.constant 1 : i32
          %add3A_71 = arith.addi %add3A_58, %add3A_70 : i32
          %mul3A_72 = arith.constant 4 : i32
          %mul3A_73 = arith.muli %mul3A_72, %add3A_71 : i32
          %add3A_74 = vector.broadcast %mul3A_73 : i32 to vector<16xi32>
          %add3A_75 = arith.addi %add3A_48, %add3A_74 : vector<16xi32>
          %gather3A_76 = tpu.vector_load_idx %arg6[%add3A_75] : memref<8192xi32, #tpu.memory_space<vmem>>[vector<16xi32>], vector<16xi32>,
          %add3A_77 = arith.constant 1 : i32
          %add3A_78 = vector.broadcast %add3A_77 : i32 to vector<16xi32>
          %add3A_79 = arith.addi %add3A_75, %add3A_78 : vector<16xi32>
          %gather3A_80 = tpu.vector_load_idx %arg6[%add3A_79] : memref<8192xi32, #tpu.memory_space<vmem>>[vector<16xi32>], vector<16xi32>,
          %add3A_81 = arith.constant 2 : i32
          %add3A_82 = arith.addi %add3A_58, %add3A_81 : i32
          %mul3A_83 = arith.constant 4 : i32
          %mul3A_84 = arith.muli %mul3A_83, %add3A_82 : i32
          %add3A_85 = vector.broadcast %mul3A_84 : i32 to vector<16xi32>
          %add3A_86 = arith.addi %add3A_48, %add3A_85 : vector<16xi32>
          %gather3A_87 = tpu.vector_load_idx %arg6[%add3A_86] : memref<8192xi32, #tpu.memory_space<vmem>>[vector<16xi32>], vector<16xi32>,
          %add3A_88 = arith.constant 1 : i32
          %add3A_89 = vector.broadcast %add3A_88 : i32 to vector<16xi32>
          %add3A_90 = arith.addi %add3A_86, %add3A_89 : vector<16xi32>
          %gather3A_91 = tpu.vector_load_idx %arg6[%add3A_90] : memref<8192xi32, #tpu.memory_space<vmem>>[vector<16xi32>], vector<16xi32>,
          %add3A_92 = arith.constant 3 : i32
          %add3A_93 = arith.addi %add3A_58, %add3A_92 : i32
          %mul3A_94 = arith.constant 4 : i32
          %mul3A_95 = arith.muli %mul3A_94, %add3A_93 : i32
          %add3A_96 = vector.broadcast %mul3A_95 : i32 to vector<16xi32>
          %add3A_97 = arith.addi %add3A_48, %add3A_96 : vector<16xi32>
          %gather3A_98 = tpu.vector_load_idx %arg6[%add3A_97] : memref<8192xi32, #tpu.memory_space<vmem>>[vector<16xi32>], vector<16xi32>,
          %add3A_99 = arith.constant 1 : i32
          %add3A_100 = vector.broadcast %add3A_99 : i32 to vector<16xi32>
          %add3A_101 = arith.addi %add3A_97, %add3A_100 : vector<16xi32>
          %gather3A_102 = tpu.vector_load_idx %arg6[%add3A_101] : memref<8192xi32, #tpu.memory_space<vmem>>[vector<16xi32>], vector<16xi32>,
          %gather3A_103 = tpu.vector_load_idx %arg7[%gather3A_65, %and3A_8] : memref<512x8xf32, #tpu.memory_space<vmem>>[vector<16xi32>, vector<16xi32>], vector<16xf32>,
          %gather3A_104 = tpu.vector_load_idx %arg7[%gather3A_69, %and3A_8] : memref<512x8xf32, #tpu.memory_space<vmem>>[vector<16xi32>, vector<16xi32>], vector<16xf32>,
          %add3A_105 = arith.addf %gather3A_103, %gather3A_104 : vector<16xf32>
          %mul3A_106 = arith.mulf %add3A_105, %gather3A : vector<16xf32>
          %mul3A_107 = arith.constant 2048 : i32
          %mul3A_108 = arith.muli %add3A_36, %mul3A_107 : i32
          %add3A_109 = arith.constant 0 : i32
          %add3A_110 = arith.addi %add3A_58, %add3A_109 : i32
          %mul3A_111 = arith.constant 16 : i32
          %mul3A_112 = arith.muli %add3A_110, %mul3A_111 : i32
          %add3A_113 = arith.addi %mul3A_108, %mul3A_112 : i32
          %swap3A = arith.index_cast %add3A_113 : i32 to index
          %swap3A_114 = tpu.vector_load %arg9[%swap3A] {strides = array<i32>} : memref<32768xf32, #tpu.memory_space<vmem>>, vector<16xf32>,
          tpu.vector_store %arg9[%swap3A], %mul3A_106 {strides = array<i32>} : memref<32768xf32, #tpu.memory_space<vmem>>, vector<16xf32>,
          %add3A_115 = arith.constant 4 : i32
          %add3A_116 = arith.addi %add3A_58, %add3A_115 : i32
          %mul3A_117 = arith.constant 4 : i32
          %mul3A_118 = arith.muli %mul3A_117, %add3A_116 : i32
          %add3A_119 = vector.broadcast %mul3A_118 : i32 to vector<16xi32>
          %add3A_120 = arith.addi %add3A_48, %add3A_119 : vector<16xi32>
          %gather3A_121 = tpu.vector_load_idx %arg6[%add3A_120] : memref<8192xi32, #tpu.memory_space<vmem>>[vector<16xi32>], vector<16xi32>,
          %add3A_122 = arith.constant 1 : i32
          %add3A_123 = vector.broadcast %add3A_122 : i32 to vector<16xi32>
          %add3A_124 = arith.addi %add3A_120, %add3A_123 : vector<16xi32>
          %gather3A_125 = tpu.vector_load_idx %arg6[%add3A_124] : memref<8192xi32, #tpu.memory_space<vmem>>[vector<16xi32>], vector<16xi32>,
          %gather3A_126 = tpu.vector_load_idx %arg7[%gather3A_76, %and3A_8] : memref<512x8xf32, #tpu.memory_space<vmem>>[vector<16xi32>, vector<16xi32>], vector<16xf32>,
          %gather3A_127 = tpu.vector_load_idx %arg7[%gather3A_80, %and3A_8] : memref<512x8xf32, #tpu.memory_space<vmem>>[vector<16xi32>, vector<16xi32>], vector<16xf32>,
          %add3A_128 = arith.addf %gather3A_126, %gather3A_127 : vector<16xf32>
          %mul3A_129 = arith.mulf %add3A_128, %gather3A : vector<16xf32>
          %mul3A_130 = arith.constant 2048 : i32
          %mul3A_131 = arith.muli %add3A_36, %mul3A_130 : i32
          %add3A_132 = arith.constant 1 : i32
          %add3A_133 = arith.addi %add3A_58, %add3A_132 : i32
          %mul3A_134 = arith.constant 16 : i32
          %mul3A_135 = arith.muli %add3A_133, %mul3A_134 : i32
          %add3A_136 = arith.addi %mul3A_131, %mul3A_135 : i32
          %swap3A_137 = arith.index_cast %add3A_136 : i32 to index
          %swap3A_138 = tpu.vector_load %arg9[%swap3A_137] {strides = array<i32>} : memref<32768xf32, #tpu.memory_space<vmem>>, vector<16xf32>,
          tpu.vector_store %arg9[%swap3A_137], %mul3A_129 {strides = array<i32>} : memref<32768xf32, #tpu.memory_space<vmem>>, vector<16xf32>,
          %add3A_139 = arith.constant 5 : i32
          %add3A_140 = arith.addi %add3A_58, %add3A_139 : i32
          %mul3A_141 = arith.constant 4 : i32
          %mul3A_142 = arith.muli %mul3A_141, %add3A_140 : i32
          %add3A_143 = vector.broadcast %mul3A_142 : i32 to vector<16xi32>
          %add3A_144 = arith.addi %add3A_48, %add3A_143 : vector<16xi32>
          %gather3A_145 = tpu.vector_load_idx %arg6[%add3A_144] : memref<8192xi32, #tpu.memory_space<vmem>>[vector<16xi32>], vector<16xi32>,
          %add3A_146 = arith.constant 1 : i32
          %add3A_147 = vector.broadcast %add3A_146 : i32 to vector<16xi32>
          %add3A_148 = arith.addi %add3A_144, %add3A_147 : vector<16xi32>
          %gather3A_149 = tpu.vector_load_idx %arg6[%add3A_148] : memref<8192xi32, #tpu.memory_space<vmem>>[vector<16xi32>], vector<16xi32>,
          %gather3A_150 = tpu.vector_load_idx %arg7[%gather3A_87, %and3A_8] : memref<512x8xf32, #tpu.memory_space<vmem>>[vector<16xi32>, vector<16xi32>], vector<16xf32>,
          %gather3A_151 = tpu.vector_load_idx %arg7[%gather3A_91, %and3A_8] : memref<512x8xf32, #tpu.memory_space<vmem>>[vector<16xi32>, vector<16xi32>], vector<16xf32>,
          %add3A_152 = arith.addf %gather3A_150, %gather3A_151 : vector<16xf32>
          %mul3A_153 = arith.mulf %add3A_152, %gather3A : vector<16xf32>
          %mul3A_154 = arith.constant 2048 : i32
          %mul3A_155 = arith.muli %add3A_36, %mul3A_154 : i32
          %add3A_156 = arith.constant 2 : i32
          %add3A_157 = arith.addi %add3A_58, %add3A_156 : i32
          %mul3A_158 = arith.constant 16 : i32
          %mul3A_159 = arith.muli %add3A_157, %mul3A_158 : i32
          %add3A_160 = arith.addi %mul3A_155, %mul3A_159 : i32
          %swap3A_161 = arith.index_cast %add3A_160 : i32 to index
          %swap3A_162 = tpu.vector_load %arg9[%swap3A_161] {strides = array<i32>} : memref<32768xf32, #tpu.memory_space<vmem>>, vector<16xf32>,
          tpu.vector_store %arg9[%swap3A_161], %mul3A_153 {strides = array<i32>} : memref<32768xf32, #tpu.memory_space<vmem>>, vector<16xf32>,
          %add3A_163 = arith.constant 6 : i32
          %add3A_164 = arith.addi %add3A_58, %add3A_163 : i32
          %mul3A_165 = arith.constant 4 : i32
          %mul3A_166 = arith.muli %mul3A_165, %add3A_164 : i32
          %add3A_167 = vector.broadcast %mul3A_166 : i32 to vector<16xi32>
          %add3A_168 = arith.addi %add3A_48, %add3A_167 : vector<16xi32>
          %gather3A_169 = tpu.vector_load_idx %arg6[%add3A_168] : memref<8192xi32, #tpu.memory_space<vmem>>[vector<16xi32>], vector<16xi32>,
          %add3A_170 = arith.constant 1 : i32
          %add3A_171 = vector.broadcast %add3A_170 : i32 to vector<16xi32>
          %add3A_172 = arith.addi %add3A_168, %add3A_171 : vector<16xi32>
          %gather3A_173 = tpu.vector_load_idx %arg6[%add3A_172] : memref<8192xi32, #tpu.memory_space<vmem>>[vector<16xi32>], vector<16xi32>,
          %gather3A_174 = tpu.vector_load_idx %arg7[%gather3A_98, %and3A_8] : memref<512x8xf32, #tpu.memory_space<vmem>>[vector<16xi32>, vector<16xi32>], vector<16xf32>,
          %gather3A_175 = tpu.vector_load_idx %arg7[%gather3A_102, %and3A_8] : memref<512x8xf32, #tpu.memory_space<vmem>>[vector<16xi32>, vector<16xi32>], vector<16xf32>,
          %add3A_176 = arith.addf %gather3A_174, %gather3A_175 : vector<16xf32>
          %mul3A_177 = arith.mulf %add3A_176, %gather3A : vector<16xf32>
          %mul3A_178 = arith.constant 2048 : i32
          %mul3A_179 = arith.muli %add3A_36, %mul3A_178 : i32
          %add3A_180 = arith.constant 3 : i32
          %add3A_181 = arith.addi %add3A_58, %add3A_180 : i32
          %mul3A_182 = arith.constant 16 : i32
          %mul3A_183 = arith.muli %add3A_181, %mul3A_182 : i32
          %add3A_184 = arith.addi %mul3A_179, %mul3A_183 : i32
          %swap3A_185 = arith.index_cast %add3A_184 : i32 to index
          %swap3A_186 = tpu.vector_load %arg9[%swap3A_185] {strides = array<i32>} : memref<32768xf32, #tpu.memory_space<vmem>>, vector<16xf32>,
          tpu.vector_store %arg9[%swap3A_185], %mul3A_177 {strides = array<i32>} : memref<32768xf32, #tpu.memory_space<vmem>>, vector<16xf32>,
          %add3A_187 = arith.constant 7 : i32
          %add3A_188 = arith.addi %add3A_58, %add3A_187 : i32
          %mul3A_189 = arith.constant 4 : i32
          %mul3A_190 = arith.muli %mul3A_189, %add3A_188 : i32
          %add3A_191 = vector.broadcast %mul3A_190 : i32 to vector<16xi32>
          %add3A_192 = arith.addi %add3A_48, %add3A_191 : vector<16xi32>
          %gather3A_193 = tpu.vector_load_idx %arg6[%add3A_192] : memref<8192xi32, #tpu.memory_space<vmem>>[vector<16xi32>], vector<16xi32>,
          %add3A_194 = arith.constant 1 : i32
          %add3A_195 = vector.broadcast %add3A_194 : i32 to vector<16xi32>
          %add3A_196 = arith.addi %add3A_192, %add3A_195 : vector<16xi32>
          %gather3A_197 = tpu.vector_load_idx %arg6[%add3A_196] : memref<8192xi32, #tpu.memory_space<vmem>>[vector<16xi32>], vector<16xi32>,
          %gather3A_198 = tpu.vector_load_idx %arg7[%gather3A_121, %and3A_8] : memref<512x8xf32, #tpu.memory_space<vmem>>[vector<16xi32>, vector<16xi32>], vector<16xf32>,
          %gather3A_199 = tpu.vector_load_idx %arg7[%gather3A_125, %and3A_8] : memref<512x8xf32, #tpu.memory_space<vmem>>[vector<16xi32>, vector<16xi32>], vector<16xf32>,
          %add3A_200 = arith.addf %gather3A_198, %gather3A_199 : vector<16xf32>
          %mul3A_201 = arith.mulf %add3A_200, %gather3A : vector<16xf32>
          %mul3A_202 = arith.constant 2048 : i32
          %mul3A_203 = arith.muli %add3A_36, %mul3A_202 : i32
          %add3A_204 = arith.constant 4 : i32
          %add3A_205 = arith.addi %add3A_58, %add3A_204 : i32
          %mul3A_206 = arith.constant 16 : i32
          %mul3A_207 = arith.muli %add3A_205, %mul3A_206 : i32
          %add3A_208 = arith.addi %mul3A_203, %mul3A_207 : i32
          %swap3A_209 = arith.index_cast %add3A_208 : i32 to index
          %swap3A_210 = tpu.vector_load %arg9[%swap3A_209] {strides = array<i32>} : memref<32768xf32, #tpu.memory_space<vmem>>, vector<16xf32>,
          tpu.vector_store %arg9[%swap3A_209], %mul3A_201 {strides = array<i32>} : memref<32768xf32, #tpu.memory_space<vmem>>, vector<16xf32>,
          %add3A_211 = arith.constant 8 : i32
          %add3A_212 = arith.addi %add3A_58, %add3A_211 : i32
          %mul3A_213 = arith.constant 4 : i32
          %mul3A_214 = arith.muli %mul3A_213, %add3A_212 : i32
          %add3A_215 = vector.broadcast %mul3A_214 : i32 to vector<16xi32>
          %add3A_216 = arith.addi %add3A_48, %add3A_215 : vector<16xi32>
          %gather3A_217 = tpu.vector_load_idx %arg6[%add3A_216] : memref<8192xi32, #tpu.memory_space<vmem>>[vector<16xi32>], vector<16xi32>,
          %add3A_218 = arith.constant 1 : i32
          %add3A_219 = vector.broadcast %add3A_218 : i32 to vector<16xi32>
          %add3A_220 = arith.addi %add3A_216, %add3A_219 : vector<16xi32>
          %gather3A_221 = tpu.vector_load_idx %arg6[%add3A_220] : memref<8192xi32, #tpu.memory_space<vmem>>[vector<16xi32>], vector<16xi32>,
          %gather3A_222 = tpu.vector_load_idx %arg7[%gather3A_145, %and3A_8] : memref<512x8xf32, #tpu.memory_space<vmem>>[vector<16xi32>, vector<16xi32>], vector<16xf32>,
          %gather3A_223 = tpu.vector_load_idx %arg7[%gather3A_149, %and3A_8] : memref<512x8xf32, #tpu.memory_space<vmem>>[vector<16xi32>, vector<16xi32>], vector<16xf32>,
          %add3A_224 = arith.addf %gather3A_222, %gather3A_223 : vector<16xf32>
          %mul3A_225 = arith.mulf %add3A_224, %gather3A : vector<16xf32>
          %mul3A_226 = arith.constant 2048 : i32
          %mul3A_227 = arith.muli %add3A_36, %mul3A_226 : i32
          %add3A_228 = arith.constant 5 : i32
          %add3A_229 = arith.addi %add3A_58, %add3A_228 : i32
          %mul3A_230 = arith.constant 16 : i32
          %mul3A_231 = arith.muli %add3A_229, %mul3A_230 : i32
          %add3A_232 = arith.addi %mul3A_227, %mul3A_231 : i32
          %swap3A_233 = arith.index_cast %add3A_232 : i32 to index
          %swap3A_234 = tpu.vector_load %arg9[%swap3A_233] {strides = array<i32>} : memref<32768xf32, #tpu.memory_space<vmem>>, vector<16xf32>,
          tpu.vector_store %arg9[%swap3A_233], %mul3A_225 {strides = array<i32>} : memref<32768xf32, #tpu.memory_space<vmem>>, vector<16xf32>,
          %add3A_235 = arith.constant 9 : i32
          %add3A_236 = arith.addi %add3A_58, %add3A_235 : i32
          %mul3A_237 = arith.constant 4 : i32
          %mul3A_238 = arith.muli %mul3A_237, %add3A_236 : i32
          %add3A_239 = vector.broadcast %mul3A_238 : i32 to vector<16xi32>
          %add3A_240 = arith.addi %add3A_48, %add3A_239 : vector<16xi32>
          %gather3A_241 = tpu.vector_load_idx %arg6[%add3A_240] : memref<8192xi32, #tpu.memory_space<vmem>>[vector<16xi32>], vector<16xi32>,
          %add3A_242 = arith.constant 1 : i32
          %add3A_243 = vector.broadcast %add3A_242 : i32 to vector<16xi32>
          %add3A_244 = arith.addi %add3A_240, %add3A_243 : vector<16xi32>
          %gather3A_245 = tpu.vector_load_idx %arg6[%add3A_244] : memref<8192xi32, #tpu.memory_space<vmem>>[vector<16xi32>], vector<16xi32>,
          %gather3A_246 = tpu.vector_load_idx %arg7[%gather3A_169, %and3A_8] : memref<512x8xf32, #tpu.memory_space<vmem>>[vector<16xi32>, vector<16xi32>], vector<16xf32>,
          %gather3A_247 = tpu.vector_load_idx %arg7[%gather3A_173, %and3A_8] : memref<512x8xf32, #tpu.memory_space<vmem>>[vector<16xi32>, vector<16xi32>], vector<16xf32>,
          %add3A_248 = arith.addf %gather3A_246, %gather3A_247 : vector<16xf32>
          %mul3A_249 = arith.mulf %add3A_248, %gather3A : vector<16xf32>
          %mul3A_250 = arith.constant 2048 : i32
          %mul3A_251 = arith.muli %add3A_36, %mul3A_250 : i32
          %add3A_252 = arith.constant 6 : i32
          %add3A_253 = arith.addi %add3A_58, %add3A_252 : i32
          %mul3A_254 = arith.constant 16 : i32
          %mul3A_255 = arith.muli %add3A_253, %mul3A_254 : i32
          %add3A_256 = arith.addi %mul3A_251, %mul3A_255 : i32
          %swap3A_257 = arith.index_cast %add3A_256 : i32 to index
          %swap3A_258 = tpu.vector_load %arg9[%swap3A_257] {strides = array<i32>} : memref<32768xf32, #tpu.memory_space<vmem>>, vector<16xf32>,
          tpu.vector_store %arg9[%swap3A_257], %mul3A_249 {strides = array<i32>} : memref<32768xf32, #tpu.memory_space<vmem>>, vector<16xf32>,
          %add3A_259 = arith.constant 10 : i32
          %add3A_260 = arith.addi %add3A_58, %add3A_259 : i32
          %mul3A_261 = arith.constant 4 : i32
          %mul3A_262 = arith.muli %mul3A_261, %add3A_260 : i32
          %add3A_263 = vector.broadcast %mul3A_262 : i32 to vector<16xi32>
          %add3A_264 = arith.addi %add3A_48, %add3A_263 : vector<16xi32>
          %gather3A_265 = tpu.vector_load_idx %arg6[%add3A_264] : memref<8192xi32, #tpu.memory_space<vmem>>[vector<16xi32>], vector<16xi32>,
          %add3A_266 = arith.constant 1 : i32
          %add3A_267 = vector.broadcast %add3A_266 : i32 to vector<16xi32>
          %add3A_268 = arith.addi %add3A_264, %add3A_267 : vector<16xi32>
          %gather3A_269 = tpu.vector_load_idx %arg6[%add3A_268] : memref<8192xi32, #tpu.memory_space<vmem>>[vector<16xi32>], vector<16xi32>,
          %gather3A_270 = tpu.vector_load_idx %arg7[%gather3A_193, %and3A_8] : memref<512x8xf32, #tpu.memory_space<vmem>>[vector<16xi32>, vector<16xi32>], vector<16xf32>,
          %gather3A_271 = tpu.vector_load_idx %arg7[%gather3A_197, %and3A_8] : memref<512x8xf32, #tpu.memory_space<vmem>>[vector<16xi32>, vector<16xi32>], vector<16xf32>,
          %add3A_272 = arith.addf %gather3A_270, %gather3A_271 : vector<16xf32>
          %mul3A_273 = arith.mulf %add3A_272, %gather3A : vector<16xf32>
          %mul3A_274 = arith.constant 2048 : i32
          %mul3A_275 = arith.muli %add3A_36, %mul3A_274 : i32
          %add3A_276 = arith.constant 7 : i32
          %add3A_277 = arith.addi %add3A_58, %add3A_276 : i32
          %mul3A_278 = arith.constant 16 : i32
          %mul3A_279 = arith.muli %add3A_277, %mul3A_278 : i32
          %add3A_280 = arith.addi %mul3A_275, %mul3A_279 : i32
          %swap3A_281 = arith.index_cast %add3A_280 : i32 to index
          %swap3A_282 = tpu.vector_load %arg9[%swap3A_281] {strides = array<i32>} : memref<32768xf32, #tpu.memory_space<vmem>>, vector<16xf32>,
          tpu.vector_store %arg9[%swap3A_281], %mul3A_273 {strides = array<i32>} : memref<32768xf32, #tpu.memory_space<vmem>>, vector<16xf32>,
          %add3A_283 = arith.constant 11 : i32
          %add3A_284 = arith.addi %add3A_58, %add3A_283 : i32
          %mul3A_285 = arith.constant 4 : i32
          %mul3A_286 = arith.muli %mul3A_285, %add3A_284 : i32
          %add3A_287 = vector.broadcast %mul3A_286 : i32 to vector<16xi32>
          %add3A_288 = arith.addi %add3A_48, %add3A_287 : vector<16xi32>
          %gather3A_289 = tpu.vector_load_idx %arg6[%add3A_288] : memref<8192xi32, #tpu.memory_space<vmem>>[vector<16xi32>], vector<16xi32>,
          %add3A_290 = arith.constant 1 : i32
          %add3A_291 = vector.broadcast %add3A_290 : i32 to vector<16xi32>
          %add3A_292 = arith.addi %add3A_288, %add3A_291 : vector<16xi32>
          %gather3A_293 = tpu.vector_load_idx %arg6[%add3A_292] : memref<8192xi32, #tpu.memory_space<vmem>>[vector<16xi32>], vector<16xi32>,
          %gather3A_294 = tpu.vector_load_idx %arg7[%gather3A_217, %and3A_8] : memref<512x8xf32, #tpu.memory_space<vmem>>[vector<16xi32>, vector<16xi32>], vector<16xf32>,
          %gather3A_295 = tpu.vector_load_idx %arg7[%gather3A_221, %and3A_8] : memref<512x8xf32, #tpu.memory_space<vmem>>[vector<16xi32>, vector<16xi32>], vector<16xf32>,
          %add3A_296 = arith.addf %gather3A_294, %gather3A_295 : vector<16xf32>
          %mul3A_297 = arith.mulf %add3A_296, %gather3A : vector<16xf32>
          %mul3A_298 = arith.constant 2048 : i32
          %mul3A_299 = arith.muli %add3A_36, %mul3A_298 : i32
          %add3A_300 = arith.constant 8 : i32
          %add3A_301 = arith.addi %add3A_58, %add3A_300 : i32
          %mul3A_302 = arith.constant 16 : i32
          %mul3A_303 = arith.muli %add3A_301, %mul3A_302 : i32
          %add3A_304 = arith.addi %mul3A_299, %mul3A_303 : i32
          %swap3A_305 = arith.index_cast %add3A_304 : i32 to index
          %swap3A_306 = tpu.vector_load %arg9[%swap3A_305] {strides = array<i32>} : memref<32768xf32, #tpu.memory_space<vmem>>, vector<16xf32>,
          tpu.vector_store %arg9[%swap3A_305], %mul3A_297 {strides = array<i32>} : memref<32768xf32, #tpu.memory_space<vmem>>, vector<16xf32>,
          %add3A_307 = arith.constant 12 : i32
          %add3A_308 = arith.addi %add3A_58, %add3A_307 : i32
          %mul3A_309 = arith.constant 4 : i32
          %mul3A_310 = arith.muli %mul3A_309, %add3A_308 : i32
          %add3A_311 = vector.broadcast %mul3A_310 : i32 to vector<16xi32>
          %add3A_312 = arith.addi %add3A_48, %add3A_311 : vector<16xi32>
          %gather3A_313 = tpu.vector_load_idx %arg6[%add3A_312] : memref<8192xi32, #tpu.memory_space<vmem>>[vector<16xi32>], vector<16xi32>,
          %add3A_314 = arith.constant 1 : i32
          %add3A_315 = vector.broadcast %add3A_314 : i32 to vector<16xi32>
          %add3A_316 = arith.addi %add3A_312, %add3A_315 : vector<16xi32>
          %gather3A_317 = tpu.vector_load_idx %arg6[%add3A_316] : memref<8192xi32, #tpu.memory_space<vmem>>[vector<16xi32>], vector<16xi32>,
          %gather3A_318 = tpu.vector_load_idx %arg7[%gather3A_241, %and3A_8] : memref<512x8xf32, #tpu.memory_space<vmem>>[vector<16xi32>, vector<16xi32>], vector<16xf32>,
          %gather3A_319 = tpu.vector_load_idx %arg7[%gather3A_245, %and3A_8] : memref<512x8xf32, #tpu.memory_space<vmem>>[vector<16xi32>, vector<16xi32>], vector<16xf32>,
          %add3A_320 = arith.addf %gather3A_318, %gather3A_319 : vector<16xf32>
          %mul3A_321 = arith.mulf %add3A_320, %gather3A : vector<16xf32>
          %mul3A_322 = arith.constant 2048 : i32
          %mul3A_323 = arith.muli %add3A_36, %mul3A_322 : i32
          %add3A_324 = arith.constant 9 : i32
          %add3A_325 = arith.addi %add3A_58, %add3A_324 : i32
          %mul3A_326 = arith.constant 16 : i32
          %mul3A_327 = arith.muli %add3A_325, %mul3A_326 : i32
          %add3A_328 = arith.addi %mul3A_323, %mul3A_327 : i32
          %swap3A_329 = arith.index_cast %add3A_328 : i32 to index
          %swap3A_330 = tpu.vector_load %arg9[%swap3A_329] {strides = array<i32>} : memref<32768xf32, #tpu.memory_space<vmem>>, vector<16xf32>,
          tpu.vector_store %arg9[%swap3A_329], %mul3A_321 {strides = array<i32>} : memref<32768xf32, #tpu.memory_space<vmem>>, vector<16xf32>,
          %add3A_331 = arith.constant 13 : i32
          %add3A_332 = arith.addi %add3A_58, %add3A_331 : i32
          %mul3A_333 = arith.constant 4 : i32
          %mul3A_334 = arith.muli %mul3A_333, %add3A_332 : i32
          %add3A_335 = vector.broadcast %mul3A_334 : i32 to vector<16xi32>
          %add3A_336 = arith.addi %add3A_48, %add3A_335 : vector<16xi32>
          %gather3A_337 = tpu.vector_load_idx %arg6[%add3A_336] : memref<8192xi32, #tpu.memory_space<vmem>>[vector<16xi32>], vector<16xi32>,
          %add3A_338 = arith.constant 1 : i32
          %add3A_339 = vector.broadcast %add3A_338 : i32 to vector<16xi32>
          %add3A_340 = arith.addi %add3A_336, %add3A_339 : vector<16xi32>
          %gather3A_341 = tpu.vector_load_idx %arg6[%add3A_340] : memref<8192xi32, #tpu.memory_space<vmem>>[vector<16xi32>], vector<16xi32>,
          %gather3A_342 = tpu.vector_load_idx %arg7[%gather3A_265, %and3A_8] : memref<512x8xf32, #tpu.memory_space<vmem>>[vector<16xi32>, vector<16xi32>], vector<16xf32>,
          %gather3A_343 = tpu.vector_load_idx %arg7[%gather3A_269, %and3A_8] : memref<512x8xf32, #tpu.memory_space<vmem>>[vector<16xi32>, vector<16xi32>], vector<16xf32>,
          %add3A_344 = arith.addf %gather3A_342, %gather3A_343 : vector<16xf32>
          %mul3A_345 = arith.mulf %add3A_344, %gather3A : vector<16xf32>
          %mul3A_346 = arith.constant 2048 : i32
          %mul3A_347 = arith.muli %add3A_36, %mul3A_346 : i32
          %add3A_348 = arith.constant 10 : i32
          %add3A_349 = arith.addi %add3A_58, %add3A_348 : i32
          %mul3A_350 = arith.constant 16 : i32
          %mul3A_351 = arith.muli %add3A_349, %mul3A_350 : i32
          %add3A_352 = arith.addi %mul3A_347, %mul3A_351 : i32
          %swap3A_353 = arith.index_cast %add3A_352 : i32 to index
          %swap3A_354 = tpu.vector_load %arg9[%swap3A_353] {strides = array<i32>} : memref<32768xf32, #tpu.memory_space<vmem>>, vector<16xf32>,
          tpu.vector_store %arg9[%swap3A_353], %mul3A_345 {strides = array<i32>} : memref<32768xf32, #tpu.memory_space<vmem>>, vector<16xf32>,
          %add3A_355 = arith.constant 14 : i32
          %add3A_356 = arith.addi %add3A_58, %add3A_355 : i32
          %mul3A_357 = arith.constant 4 : i32
          %mul3A_358 = arith.muli %mul3A_357, %add3A_356 : i32
          %add3A_359 = vector.broadcast %mul3A_358 : i32 to vector<16xi32>
          %add3A_360 = arith.addi %add3A_48, %add3A_359 : vector<16xi32>
          %gather3A_361 = tpu.vector_load_idx %arg6[%add3A_360] : memref<8192xi32, #tpu.memory_space<vmem>>[vector<16xi32>], vector<16xi32>,
          %add3A_362 = arith.constant 1 : i32
          %add3A_363 = vector.broadcast %add3A_362 : i32 to vector<16xi32>
          %add3A_364 = arith.addi %add3A_360, %add3A_363 : vector<16xi32>
          %gather3A_365 = tpu.vector_load_idx %arg6[%add3A_364] : memref<8192xi32, #tpu.memory_space<vmem>>[vector<16xi32>], vector<16xi32>,
          %gather3A_366 = tpu.vector_load_idx %arg7[%gather3A_289, %and3A_8] : memref<512x8xf32, #tpu.memory_space<vmem>>[vector<16xi32>, vector<16xi32>], vector<16xf32>,
          %gather3A_367 = tpu.vector_load_idx %arg7[%gather3A_293, %and3A_8] : memref<512x8xf32, #tpu.memory_space<vmem>>[vector<16xi32>, vector<16xi32>], vector<16xf32>,
          %add3A_368 = arith.addf %gather3A_366, %gather3A_367 : vector<16xf32>
          %mul3A_369 = arith.mulf %add3A_368, %gather3A : vector<16xf32>
          %mul3A_370 = arith.constant 2048 : i32
          %mul3A_371 = arith.muli %add3A_36, %mul3A_370 : i32
          %add3A_372 = arith.constant 11 : i32
          %add3A_373 = arith.addi %add3A_58, %add3A_372 : i32
          %mul3A_374 = arith.constant 16 : i32
          %mul3A_375 = arith.muli %add3A_373, %mul3A_374 : i32
          %add3A_376 = arith.addi %mul3A_371, %mul3A_375 : i32
          %swap3A_377 = arith.index_cast %add3A_376 : i32 to index
          %swap3A_378 = tpu.vector_load %arg9[%swap3A_377] {strides = array<i32>} : memref<32768xf32, #tpu.memory_space<vmem>>, vector<16xf32>,
          tpu.vector_store %arg9[%swap3A_377], %mul3A_369 {strides = array<i32>} : memref<32768xf32, #tpu.memory_space<vmem>>, vector<16xf32>,
          %add3A_379 = arith.constant 15 : i32
          %add3A_380 = arith.addi %add3A_58, %add3A_379 : i32
          %mul3A_381 = arith.constant 4 : i32
          %mul3A_382 = arith.muli %mul3A_381, %add3A_380 : i32
          %add3A_383 = vector.broadcast %mul3A_382 : i32 to vector<16xi32>
          %add3A_384 = arith.addi %add3A_48, %add3A_383 : vector<16xi32>
          %gather3A_385 = tpu.vector_load_idx %arg6[%add3A_384] : memref<8192xi32, #tpu.memory_space<vmem>>[vector<16xi32>], vector<16xi32>,
          %add3A_386 = arith.constant 1 : i32
          %add3A_387 = vector.broadcast %add3A_386 : i32 to vector<16xi32>
          %add3A_388 = arith.addi %add3A_384, %add3A_387 : vector<16xi32>
          %gather3A_389 = tpu.vector_load_idx %arg6[%add3A_388] : memref<8192xi32, #tpu.memory_space<vmem>>[vector<16xi32>], vector<16xi32>,
          %gather3A_390 = tpu.vector_load_idx %arg7[%gather3A_313, %and3A_8] : memref<512x8xf32, #tpu.memory_space<vmem>>[vector<16xi32>, vector<16xi32>], vector<16xf32>,
          %gather3A_391 = tpu.vector_load_idx %arg7[%gather3A_317, %and3A_8] : memref<512x8xf32, #tpu.memory_space<vmem>>[vector<16xi32>, vector<16xi32>], vector<16xf32>,
          %add3A_392 = arith.addf %gather3A_390, %gather3A_391 : vector<16xf32>
          %mul3A_393 = arith.mulf %add3A_392, %gather3A : vector<16xf32>
          %mul3A_394 = arith.constant 2048 : i32
          %mul3A_395 = arith.muli %add3A_36, %mul3A_394 : i32
          %add3A_396 = arith.constant 12 : i32
          %add3A_397 = arith.addi %add3A_58, %add3A_396 : i32
          %mul3A_398 = arith.constant 16 : i32
          %mul3A_399 = arith.muli %add3A_397, %mul3A_398 : i32
          %add3A_400 = arith.addi %mul3A_395, %mul3A_399 : i32
          %swap3A_401 = arith.index_cast %add3A_400 : i32 to index
          %swap3A_402 = tpu.vector_load %arg9[%swap3A_401] {strides = array<i32>} : memref<32768xf32, #tpu.memory_space<vmem>>, vector<16xf32>,
          tpu.vector_store %arg9[%swap3A_401], %mul3A_393 {strides = array<i32>} : memref<32768xf32, #tpu.memory_space<vmem>>, vector<16xf32>,
          %gather3A_403 = tpu.vector_load_idx %arg7[%gather3A_337, %and3A_8] : memref<512x8xf32, #tpu.memory_space<vmem>>[vector<16xi32>, vector<16xi32>], vector<16xf32>,
          %gather3A_404 = tpu.vector_load_idx %arg7[%gather3A_341, %and3A_8] : memref<512x8xf32, #tpu.memory_space<vmem>>[vector<16xi32>, vector<16xi32>], vector<16xf32>,
          %add3A_405 = arith.addf %gather3A_403, %gather3A_404 : vector<16xf32>
          %mul3A_406 = arith.mulf %add3A_405, %gather3A : vector<16xf32>
          %mul3A_407 = arith.constant 2048 : i32
          %mul3A_408 = arith.muli %add3A_36, %mul3A_407 : i32
          %add3A_409 = arith.constant 13 : i32
          %add3A_410 = arith.addi %add3A_58, %add3A_409 : i32
          %mul3A_411 = arith.constant 16 : i32
          %mul3A_412 = arith.muli %add3A_410, %mul3A_411 : i32
          %add3A_413 = arith.addi %mul3A_408, %mul3A_412 : i32
          %swap3A_414 = arith.index_cast %add3A_413 : i32 to index
          %swap3A_415 = tpu.vector_load %arg9[%swap3A_414] {strides = array<i32>} : memref<32768xf32, #tpu.memory_space<vmem>>, vector<16xf32>,
          tpu.vector_store %arg9[%swap3A_414], %mul3A_406 {strides = array<i32>} : memref<32768xf32, #tpu.memory_space<vmem>>, vector<16xf32>,
          %gather3A_416 = tpu.vector_load_idx %arg7[%gather3A_361, %and3A_8] : memref<512x8xf32, #tpu.memory_space<vmem>>[vector<16xi32>, vector<16xi32>], vector<16xf32>,
          %gather3A_417 = tpu.vector_load_idx %arg7[%gather3A_365, %and3A_8] : memref<512x8xf32, #tpu.memory_space<vmem>>[vector<16xi32>, vector<16xi32>], vector<16xf32>,
          %add3A_418 = arith.addf %gather3A_416, %gather3A_417 : vector<16xf32>
          %mul3A_419 = arith.mulf %add3A_418, %gather3A : vector<16xf32>
          %mul3A_420 = arith.constant 2048 : i32
          %mul3A_421 = arith.muli %add3A_36, %mul3A_420 : i32
          %add3A_422 = arith.constant 14 : i32
          %add3A_423 = arith.addi %add3A_58, %add3A_422 : i32
          %mul3A_424 = arith.constant 16 : i32
          %mul3A_425 = arith.muli %add3A_423, %mul3A_424 : i32
          %add3A_426 = arith.addi %mul3A_421, %mul3A_425 : i32
          %swap3A_427 = arith.index_cast %add3A_426 : i32 to index
          %swap3A_428 = tpu.vector_load %arg9[%swap3A_427] {strides = array<i32>} : memref<32768xf32, #tpu.memory_space<vmem>>, vector<16xf32>,
          tpu.vector_store %arg9[%swap3A_427], %mul3A_419 {strides = array<i32>} : memref<32768xf32, #tpu.memory_space<vmem>>, vector<16xf32>,
          %gather3A_429 = tpu.vector_load_idx %arg7[%gather3A_385, %and3A_8] : memref<512x8xf32, #tpu.memory_space<vmem>>[vector<16xi32>, vector<16xi32>], vector<16xf32>,
          %gather3A_430 = tpu.vector_load_idx %arg7[%gather3A_389, %and3A_8] : memref<512x8xf32, #tpu.memory_space<vmem>>[vector<16xi32>, vector<16xi32>], vector<16xf32>,
          %add3A_431 = arith.addf %gather3A_429, %gather3A_430 : vector<16xf32>
          %mul3A_432 = arith.mulf %add3A_431, %gather3A : vector<16xf32>
          %mul3A_433 = arith.constant 2048 : i32
          %mul3A_434 = arith.muli %add3A_36, %mul3A_433 : i32
          %add3A_435 = arith.constant 15 : i32
          %add3A_436 = arith.addi %add3A_58, %add3A_435 : i32
          %mul3A_437 = arith.constant 16 : i32
          %mul3A_438 = arith.muli %add3A_436, %mul3A_437 : i32
          %add3A_439 = arith.addi %mul3A_434, %mul3A_438 : i32
          %swap3A_440 = arith.index_cast %add3A_439 : i32 to index
          %swap3A_441 = tpu.vector_load %arg9[%swap3A_440] {strides = array<i32>} : memref<32768xf32, #tpu.memory_space<vmem>>, vector<16xf32>,
          tpu.vector_store %arg9[%swap3A_440], %mul3A_432 {strides = array<i32>} : memref<32768xf32, #tpu.memory_space<vmem>>, vector<16xf32>,
        }
        %scan3A_53 = arith.constant 8 : i32
      }
      %scan3A_29 = arith.constant 16 : i32
      %mul3A_30 = arith.constant 2048 : i32
      %mul3A_31 = arith.muli %add3A_20, %mul3A_30 : i32
      "tpu.region"() ({
        %run_scoped3A = tpu.sem_alloc : memref<!tpu.dma_semaphore, #tpu.memory_space<semaphore_mem>>
        %dma_start3A = tpu.memref_slice %arg5[%mul3A_31] : memref<4194304xf32, #tpu.memory_space<hbm>> -> memref<32768xf32, #tpu.memory_space<hbm>>
        %dma_start3A_32 = tpu.memref_slice %arg5[%mul3A_31] : memref<4194304xf32, #tpu.memory_space<hbm>> -> memref<32768xf32, #tpu.memory_space<hbm>>
        tpu.enqueue_dma source(%arg9 : memref<32768xf32, #tpu.memory_space<vmem>>) target(%dma_start3A_32 : memref<32768xf32, #tpu.memory_space<hbm>>) target_semaphore(%run_scoped3A : memref<!tpu.dma_semaphore, #tpu.memory_space<semaphore_mem>>)
        %dma_wait3A = tpu.memref_slice %arg5[%mul3A_31] : memref<4194304xf32, #tpu.memory_space<hbm>> -> memref<32768xf32, #tpu.memory_space<hbm>>
        %dma_wait3A_33 = tpu.memref_slice %arg5[%mul3A_31] : memref<4194304xf32, #tpu.memory_space<hbm>> -> memref<32768xf32, #tpu.memory_space<hbm>>
        tpu.wait_dma2 semaphore(%run_scoped3A : memref<!tpu.dma_semaphore, #tpu.memory_space<semaphore_mem>>) src(%arg9 : memref<32768xf32, #tpu.memory_space<vmem>>) dst(%dma_wait3A_33 : memref<32768xf32, #tpu.memory_space<hbm>>)
        tpu.yield
      }) : () -> ()
    }
    %scan3A_12 = arith.constant 4 : i32
    return
  }
}

module attributes {stable_mosaic.version = 14 : i64} {
  func.func @_mm_body(%arg0: i32, %arg1: memref<2048x2048xf32, #tpu.memory_space<vmem>>, %arg2: memref<512x2048xf32, #tpu.memory_space<vmem>>, %arg3: memref<1x512xf32, #tpu.memory_space<vmem>>, %arg4: memref<2048x512xf32, #tpu.memory_space<vmem>>) attributes {dimension_semantics = [#tpu.dimension_semantics<arbitrary>], iteration_bounds = array<i64: 4>, scalar_prefetch = 0 : i64, scratch_operands = 0 : i64, tpu.core_type = #tpu.core_type<tc>, window_params = [{pipeline_mode = #tpu.pipeline_mode<synchronous>, transform_indices = @transform_0, window_bounds = array<i64: 2048, 2048>}, {transform_indices = @transform_1, window_bounds = array<i64: 512, 2048>}, {transform_indices = @transform_2, window_bounds = array<i64: 1, 512>}, {transform_indices = @transform_3, window_bounds = array<i64: 2048, 512>}]} {
    %get3A = arith.constant 0 : index
    %get3A_0 = arith.constant 0 : index
    %get3A_1 = vector.load %arg1[%get3A, %get3A_0] : memref<2048x2048xf32, #tpu.memory_space<vmem>>, vector<2048x2048xf32>
    %get3A_2 = arith.constant 0 : index
    %get3A_3 = arith.constant 0 : index
    %get3A_4 = vector.load %arg2[%get3A_2, %get3A_3] : memref<512x2048xf32, #tpu.memory_space<vmem>>, vector<512x2048xf32>
    %dot_general3A = arith.constant dense<0.000000e+00> : vector<2048x512xf32>
    %dot_general3A_5 = tpu.matmul %get3A_1, %get3A_4, %dot_general3A {dimension_numbers = #tpu.dot_dimension_numbers<[1], [1], [0], [0], [0, 0, 1, 0], [], []>, transpose_lhs_hint = false} : vector<2048x2048xf32>, vector<512x2048xf32>, vector<2048x512xf32> -> vector<2048x512xf32>
    %get3A_6 = arith.constant 0 : index
    %get3A_7 = arith.constant 0 : index
    %get3A_8 = vector.load %arg3[%get3A_6, %get3A_7] : memref<1x512xf32, #tpu.memory_space<vmem>>, vector<1x512xf32>
    %add3A = vector.broadcast %get3A_8 : vector<1x512xf32> to vector<2048x512xf32>
    %add3A_9 = arith.addf %dot_general3A_5, %add3A : vector<2048x512xf32>
    %swap3A = arith.constant 0 : index
    %swap3A_10 = arith.constant 0 : index
    %swap3A_11 = vector.load %arg4[%swap3A, %swap3A_10] : memref<2048x512xf32, #tpu.memory_space<vmem>>, vector<2048x512xf32>
    tpu.vector_store %arg4[%swap3A, %swap3A_10], %add3A_9 {strides = array<i32>} : memref<2048x512xf32, #tpu.memory_space<vmem>>, vector<2048x512xf32>,
    return
  }
  func.func @transform_0(%arg0: i32) -> (i32, i32) {
    %c0_i32 = arith.constant 0 : i32
    %c0_i32_0 = arith.constant 0 : i32
    %c0_i32_1 = arith.constant 0 : i32
    return %c0_i32, %c0_i32_0 : i32, i32
  }
  func.func @transform_1(%arg0: i32) -> (i32, i32) {
    %c0_i32 = arith.constant 0 : i32
    %c0_i32_0 = arith.constant 0 : i32
    return %arg0, %c0_i32 : i32, i32
  }
  func.func @transform_2(%arg0: i32) -> (i32, i32) {
    %c0_i32 = arith.constant 0 : i32
    %c0_i32_0 = arith.constant 0 : i32
    return %c0_i32, %arg0 : i32, i32
  }
  func.func @transform_3(%arg0: i32) -> (i32, i32) {
    %c0_i32 = arith.constant 0 : i32
    %c0_i32_0 = arith.constant 0 : i32
    return %c0_i32, %arg0 : i32, i32
  }
}

</mosaic_0001>

<sc_bundles>
// kernel: kernel.4.cloned.1.call-start
scs
__scs_entry_jumppad:
0x0: {  	(pc) =	sbr.rel $0x88, $3  }
0x1: {  	(tag) =	ssettag $0x0;
	lr =	simm.s32 $0x1  }
0x2: {  	[smem:$0x3F9C] =	sst lr;
	_ =	strace $0xD0000000  }
0x3: {  	_ = 	snop  }
0x4: {  	_ = 	snop  }
0x5: {  	_ = 	snop  }
0x6: {  	_ = 	snop  }
0x7: {  	_ = 	snop  }
__scs_overlays_trampoline_lowered:
0x8: {  	[smem:$0x3FAB] =	sst s0  }
0x9: {  	[smem:$0x3FAC] =	sst s1  }
0xa: {  	[smem:$0x3FAD] =	sst s2  }
0xb: {  	[smem:$0x3FAE] =	sst s3  }
0xc: {  	[smem:$0x3FAF] =	sst s4  }
0xd: {  	[smem:$0x3FB0] =	sst s5  }
0xe: {  	[smem:$0x3FB1] =	sst s6  }
0xf: {  	[smem:$0x3FB2] =	sst s7  }
0x10: {  	[smem:$0x3FB3] =	sst s8  }
0x11: {  	[smem:$0x3FB4] =	sst s9;
	s0 =	simm.s32 @!p0 $0x0  }
0x12: {  	s1 =	sld [smem:$0x3F9A];
	s0 =	simm.s32 @p0 $0x1  }
0x13: {  	[smem:$0x3FB5] =	sst s0;
	s0 =	simm.s32 @!p1 $0x0  }
0x14: {  	s2 =	sld [smem:$0x3F99];
	s0 =	simm.s32 @p1 $0x1  }
0x15: {  	[smem:$0x3FB6] =	sst s0;
	s0 =	simm.s32 @!p2 $0x0  }
0x16: {  	s3 =	sld [smem:$0x3FDB];
	s0 =	simm.s32 @p2 $0x1  }
0x17: {  	s4 =	simm.s32 $0x1BF5;
	[smem:$0x3FB8] =	sst s0  }
0x18: {  	s0 =	sld [smem:$0x3F9B];
	_ =	swait.ge [sflag:s4], $0x0  }
0x19: {  	s7 =	sld [smem:$0x3F9C]  }
0x1a: {  	s8 =	sadd.s32 $0xFFFFE003, lr  }
0x1b: {  	s9 =	sadd.s32 $0xFFFFFEF7, lr;
	s5 =	simm.s32 $0xFFFFFFFF;
	p2 =	slt.u32 s8, $0xFFFFF086  }
0x1c: {  	p1 =	slt.u32 s9, $0xF7A;
	s5 =	simm.s32 @!p2 $0x0  }
0x1d: {  	s5 =	simm.s32 @p1 $0x1;
	p0 =	seq.s32 s7, s2  }
0x1e: {  	s7 =	smul.u32 @!p0 $0xF7A, s2;
	p2 =	seq.s32 @!p0 s5, $0x0  }
0x1f: {  	s9 =	smul.u32 $0xF7A, s1;
	s8 =	simm.s32 @!p0 $0x1BF5;
	p2 =	por !p2, p0  }
0x20: {  	[sflag:s8] =	ssyncset.s32 @!p0 $0xFFFFF086;
	s6 =	sadd.s32 @!p0 s3, s7;
	s7 =	simm.s32 @!p0 $0x108  }
0x21: {  	s3 =	sadd.s32 s3, s9;
	s6 =	sadd.s32 @!p0 $0x88, s6;
	s7 =	simm.s32 @p2 $0x1082  }
0x22: {  	[simem:s7], [sflag:s8] =	dma.local @!p0 [hbm:s6], $0xF7A  }
0x23: {  	s9 =	sor.u32 $0xD0000000, s2;
	s6 =	simm.s32 $0x108;
	_ =	swait.ge @!p0 [sflag:s8], $0x0  }
0x24: {  	s3 =	sadd.s32 $0x88, s3;
	s6 =	simm.s32 @!p1 $0x1082;
	[sflag:s4] =	ssyncset.s32 $0xFFFFF086  }
0x25: {  	[simem:s6], [sflag:s4] =	dma.local [hbm:s3], $0xF7A  }
0x26: {  	[smem:$0x3F9C] =	sst s1;
	(tag) =	ssettag s2;
	_ =	strace s9  }
0x27: {  	s1 =	sld [smem:$0x3FAC]  }
0x28: {  	s2 =	sld [smem:$0x3FAD]  }
0x29: {  	s4 =	sld [smem:$0x3FAF]  }
0x2a: {  	p0 =	seq.s32 s5, $0x0;
	s5 =	sld [smem:$0x3FB0]  }
0x2b: {  	s6 =	sld [smem:$0x3FB1]  }
0x2c: {  	s7 =	sld [smem:$0x3FB2]  }
0x2d: {  	s3 =	simm.s32 $0x108;
	s8 =	sld [smem:$0x3FB3]  }
0x2e: {  	s3 =	simm.s32 @!p0 $0x1082;
	s9 =	sld [smem:$0x3FB4]  }
0x2f: {  	lr =	sadd.s32 s0, s3;
	s0 =	sld [smem:$0x3FAB]  }
0x30: {  	s3 =	sld [smem:$0x3FAE]  }
0x31: {  	[smem:$0x3FB7] =	sst s10  }
0x32: {  	s10 =	sld [smem:$0x3FB5];
	_ =	sdelay $0x3  }
0x33: {  	p0 =	seq.s32 s10, $0x1;
	s10 =	sld [smem:$0x3FB7];
	_ =	sdelay $0x3  }
0x34: {  	[smem:$0x3FB7] =	sst s10  }
0x35: {  	s10 =	sld [smem:$0x3FB6];
	_ =	sdelay $0x3  }
0x36: {  	p1 =	seq.s32 s10, $0x1;
	s10 =	sld [smem:$0x3FB7];
	_ =	sdelay $0x3  }
0x37: {  	[smem:$0x3FB7] =	sst s10  }
0x38: {  	s10 =	sld [smem:$0x3FB8]  }
0x39: {  	_ = 	snop;
	(pc) =	sbr.ind lr, $3  }
0x3a: {  	_ = 	snop  }
0x3b: {  	_ = 	snop  }
0x3c: {  	p2 =	seq.s32 s10, $0x1;
	s10 =	sld [smem:$0x3FB7]  }
0x3d: {  	_ =	shalt  }
0x3e: {  	_ =	shalt  }
0x3f: {  	_ =	shalt  }
0x40: {  	_ =	shalt  }
0x41: {  	_ =	shalt  }
0x42: {  	_ =	shalt  }
0x43: {  	_ =	shalt  }
0x44: {  	_ =	shalt  }
0x45: {  	_ =	shalt  }
0x46: {  	_ =	shalt  }
0x47: {  	_ =	shalt  }
0x48: {  	_ =	shalt  }
0x49: {  	_ =	shalt  }
0x4a: {  	_ =	shalt  }
0x4b: {  	_ =	shalt  }
0x4c: {  	_ =	shalt  }
0x4d: {  	_ =	shalt  }
0x4e: {  	_ =	shalt  }
0x4f: {  	_ =	shalt  }
0x50: {  	_ =	shalt  }
0x51: {  	_ =	shalt  }
0x52: {  	_ =	shalt  }
0x53: {  	_ =	shalt  }
0x54: {  	_ =	shalt  }
0x55: {  	_ =	shalt  }
0x56: {  	_ =	shalt  }
0x57: {  	_ =	shalt  }
0x58: {  	_ =	shalt  }
0x59: {  	_ =	shalt  }
0x5a: {  	_ =	shalt  }
0x5b: {  	_ =	shalt  }
0x5c: {  	_ =	shalt  }
0x5d: {  	_ =	shalt  }
0x5e: {  	_ =	shalt  }
0x5f: {  	_ =	shalt  }
0x60: {  	_ =	shalt  }
0x61: {  	_ =	shalt  }
0x62: {  	_ =	shalt  }
0x63: {  	_ =	shalt  }
0x64: {  	_ =	shalt  }
0x65: {  	_ =	shalt  }
0x66: {  	_ =	shalt  }
0x67: {  	_ =	shalt  }
0x68: {  	_ =	shalt  }
0x69: {  	_ =	shalt  }
0x6a: {  	_ =	shalt  }
0x6b: {  	_ =	shalt  }
0x6c: {  	_ =	shalt  }
0x6d: {  	_ =	shalt  }
0x6e: {  	_ =	shalt  }
0x6f: {  	_ =	shalt  }
0x70: {  	_ =	shalt  }
0x71: {  	_ =	shalt  }
0x72: {  	_ =	shalt  }
0x73: {  	_ =	shalt  }
0x74: {  	_ =	shalt  }
0x75: {  	_ =	shalt  }
0x76: {  	_ =	shalt  }
0x77: {  	_ =	shalt  }
0x78: {  	_ =	shalt  }
0x79: {  	_ =	shalt  }
0x7a: {  	_ =	shalt  }
0x7b: {  	_ =	shalt  }
0x7c: {  	_ =	shalt  }
0x7d: {  	_ =	shalt  }
0x7e: {  	_ =	shalt  }
0x7f: {  	_ =	shalt  }
0x80: {  	_ =	shalt  }
0x81: {  	_ =	shalt  }
0x82: {  	_ =	shalt  }
0x83: {  	_ =	shalt  }
0x84: {  	_ =	shalt  }
0x85: {  	_ =	shalt  }
0x86: {  	_ =	shalt  }
0x87: {  	_ =	shalt  }
.Lfunc_end0:
.L_simem_size_0:
called_computation_lowered:
.L_overlay_start_0:
0x88: {  	s2 =	sld [smem:$0x3FD9]  }
0x89: {  	s3 =	sld [smem:$0x3FFE];
	_ =	sdelay $0x1  }
0x8a: {  	s1 =	srdreg.scid  }
0x8b: {  	s0 =	sand.u32 $0x1, s1  }
0x8c: {  	s17 =	sshll.u32 s0, $0xA;
	s2 =	sadd.s32 s3, s2  }
0x8d: {  	s2 =	sadd.s32 s2, s17  }
0x8e: {  	[smem:$0x3FC3] =	sst s2  }
0x8f: {  	_ = 	snop  }
0x90: {  	s2 =	sld [smem:$0x3FC6]  }
0x91: {  	s18 =	sld [smem:$0x3FD0];
	(tm) =	ssettm $0x1  }
0x92: {  	s4 =	sld [smem:$0x3FFB];
	_ =	sdelay $0x3  }
0x93: {  	_ =	strace s4  }
0x94: {  	s4 =	sld [smem:$0x3FFC];
	_ =	sdelay $0x3  }
0x95: {  	_ =	strace s4  }
0x96: {  	s4 =	sld [smem:$0x3FFD];
	_ =	sdelay $0x3  }
0x97: {  	_ =	strace s4  }
0x98: {  	_ =	strace $0x8FFFFFFF  }
0x99: {  	s19 =	sld [smem:$0x3FDB];
	_ =	sdelay $0x1  }
0x9a: {  	s5 =	simm.s32 $_scs_section_size  }
0x9b: {  	s6 =	simm.s32 $_size__tile_overlayer_lowered;
	s7 =	simm.s32 $_tile_overlayer_lowered  }
0x9c: {  	s22 =	simm.s32 $0x1BFF;
	s21 =	sshll.u32 s7, $0x1;
	s4 =	sadd.s32 s5, s19  }
0x9d: {  	s8 =	simm.s32 $0x0;
	s20 =	sshll.u32 s6, $0x1;
	s6 =	sadd.s32 s21, s4  }
0x9e: {  	[timem:s8], [sflag:s22] =	dma.local [hbm:s6], s20  }
0x9f: {  	_ =	swait.ge [sflag:s22], s20  }
0xa0: {  	s5 =	ssub.s32 $0x0, s20;
	[sflag:s22] =	ssyncset.done $0x0  }
0xa1: {  	[sflag:s22] =	ssyncadd.s32 s5;
	_ =	sdelay $0x1  }
0xa2: {  	s23 =	simm.s32 $0x1B8B  }
0xa3: {  	_ =	swait.ge [sflag:s23], $0x1  }
0xa4: {  	[sflag:s23] =	ssyncset.done $0x0  }
0xa5: {  	s25 =	simm.s32 $0x1B8E;
	s24 =	sld [smem:$0x3FFE];
	[sflag:s23] =	ssyncadd.s32 $0xFFFFFFFF  }
0xa6: {  	s26 =	simm.s32 $execute0_lowered;
	[smem:$0x3FD2] =	sst s25  }
0xa7: {  	s6 =	sshll.u32 s26, $0x1;
	_ =	strace $0x80000046;
	[dreg:$0x1] =	wrdreg $0xFFFFFFFF  }
0xa8: {  	s28 =	simm.s32 $_size_execute0_lowered;
	s4 =	sadd.s32 s4, s6;
	[dreg:$0x0] =	wrdreg $0x0  }
0xa9: {  	s6 =	sshll.u32 s28, $0x1;
	[dreg:$0x2] =	wrdreg s4  }
0xaa: {  	[dreg:$0x3] =	wrdreg s6  }
0xab: {  	[dreg:$0x4] =	wrdreg $0xC0  }
0xac: {  	_ =	task [dreg:s8], $0x5FFFF  }
0xad: {  	[dreg:$0x1] =	wrdreg $0xFFFFFFFF  }
0xae: {  	[dreg:$0x0] =	wrdreg $0x60  }
0xaf: {  	[dreg:$0x2] =	wrdreg s24  }
0xb0: {  	[dreg:$0x3] =	wrdreg s2  }
0xb1: {  	[dreg:$0x4] =	wrdreg s18  }
0xb2: {  	[dreg:$0x5] =	wrdreg $0x9  }
0xb3: {  	_ =	task.clear_ibuf [dreg:s8], $0x6FFFF;
	_ =	strace $0x90000046  }
0xb4: {  	s29 =	simm.s32 $0x9;
	_ =	strace $0x80000048  }
0xb5: {  	_ =	swait.ge [sflag:s29], $0x1  }
0xb6: {  	[sflag:s29] =	ssyncadd.s32 $0xFFFFFFFF  }
0xb7: {  	_ =	strace $0x90000048  }
0xb8: {  	_ =	sfence  }
0xb9: {  	s30 =	sld [smem:$0x0];
	_ =	sdelay $0x2  }
0xba: {  	s31 =	sshll.u32 s1, $0xD;
	s1 =	sshrl.u32 s1, $0x2  }
0xbb: {  	s3 =	sand.u32 $0x4000, s31;
	s1 =	sadd.s32 s1, s30  }
0xbc: {  	s0 =	sor.u32 s3, s0;
	s1 =	sshll.u32 s1, $0x11  }
0xbd: {  	s0 =	sor.u32 s1, s0  }
0xbe: {  	s0 =	sadd.s32 $0x8F2B, s0  }
0xbf: {  	[sflag:s0] =	ssyncadd.remote.s32 $0x1  }
0xc0: {  	_ =	sfence.sel $0xFFFF  }
0xc1: {  	[dreg:$0x0] =	wrdreg $0xFFFFFFFF;
	(pc) =	sbr.abs _section_cstart, $3  }
0xc2: {  	[dreg:$0x1] =	wrdreg $0xFFFFFFFF  }
0xc3: {  	_ =	task.clear_ibuf [dreg:s8], $0x2FFFF;
	_ =	strace $0x9FFFFFFF  }
0xc4: {  	(tm) =	ssettm $0x7FFFFFFF  }
0xc5: {  	_ =	shalt  }
tec
execute0_lowered:
.L_overlay_start_1:
0x0: {  	(tag) =	ssettag $0x1  }
0x1: {  	s6 =	rddreg [dreg:$0x0]  }
0x2: {  	s7 =	rddreg [dreg:$0x1]  }
0x3: {  	s2 =	rddreg [dreg:$0x2]  }
0x4: {  	s0 =	rddreg [dreg:$0x3];
	s4 =	srdreg.scid  }
0x5: {  	s3 =	simm.s32 $0x0;
	s1 =	stileid.u32;
	s11 =	simm.s32 $0x12000  }
0x6: {  	s12 =	simm.s32 $0x12080;
	s13 =	simm.s32 $0x0;
	s4 =	sand.u32 $0x1, s4  }
0x7: {  	v2 =	vlaneseq.u32;
	[smem:$0x7FF] =	sst s3;
	s5 =	sshll.u32 s1, $0x7;
	s8 =	sshll.u32 s4, $0x6  }
0x8: {  	v0 =	vshrl.u32 v2, $0x3;
	_ =	strace $0x80000047;
	s9 =	ssub.s32 $0x2, s4;
	s4 =	sor.u32 s8, s5  }
0x9: {  	v0 =	vmul.u32 $0x2, v0;
	s5 =	sadd.s32 $0x3A00, s6;
	s31 =	sshrl.u32 s9, $0x1;
	s6 =	sadd.s32 $0x1A00, s6  }
0xa: {  	s10 =	sshrl.u32 s4, $0x3;
	s8 =	ssub.s32 s9, s31;
	s9 =	simm.s32 $0x2000  }
0xb: {  	v2 =	vand.u32 $0x7, v2;
	v1 =	vor.u32 $0x1, v0;
	s7 =	sadd.s32 s7, s10;
	s8 =	smax.u32 s8, $0x1;
	s10 =	simm.s32 $0x1  }
.LBB2_1:
0xc: {  	[tilespmem:s9], [sflag:$0x1] =	stream.linear.gather [hbm4b:s6+s3], $0x10000, $0x38;
	[tilespmem:$0x1A080] =	vst v63  }
0xd: {  	_ =	swait.ge [sflag:s10], $0x10000  }
0xe: {  	[sflag:s10] =	ssyncset.done $0x0  }
0xf: {  	[sflag:s10] =	ssyncadd.s32 $0xFFFF0000  }
0x10: {  	[tilespmem:s11], [sflag:$0x1] =	stream.linear.gather [hbm4b:s7+s3], $0x40, $0x38;
	[tilespmem:$0x1A080] =	vst v63  }
0x11: {  	_ =	swait.ge [sflag:s10], $0x40  }
0x12: {  	[sflag:s10] =	ssyncset.done $0x0  }
0x13: {  	s14 =	simm.s32 $0x0;
	[sflag:s10] =	ssyncadd.s32 $0xFFFFFFC0  }
.LBB2_2:
0x14: {  	s16 =	sshll.u32 s14, $0x4  }
0x15: {  	s15 =	sor.u32 s4, s16  }
0x16: {  	s17 =	sshll.u32 s15, $0x6  }
0x17: {  	s18 =	sadd.s32 s5, s17;
	s17 =	simm.s32 $0x0  }
0x18: {  	[tilespmem:s17], [sflag:$0x1] =	stream.linear.gather [hbm4b:s18+s17], $0x2000, $0x38;
	[tilespmem:$0x1A080] =	vst v63  }
0x19: {  	_ =	swait.ge [sflag:s10], $0x2000  }
0x1a: {  	[sflag:s10] =	ssyncset.done $0x0  }
0x1b: {  	s19 =	simm.s32 $0x0;
	s18 =	simm.s32 $0x12100;
	[sflag:s10] =	ssyncadd.s32 $0xFFFFE000  }
.LBB2_3:
0x1c: {  	s20 =	sshll.u32 s19, $0x9  }
0x1d: {  	v3 =	vor.u32 s20, v0  }
0x1e: {  	v4 =	vor.u32 s20, v1;
	v5 =	vor.u32 s17, v3  }
0x1f: {  	v6 =	vor.u32 s17, v4;
	_ =	sdelay $0x3  }
0x20: {  	v5 =	vld.idx.msk [tilespmem:v5+s3+$0x0], $0xffff  }
0x21: {  	v6 =	vld.idx.msk [tilespmem:v6+s3+$0x0], $0xffff;
	_ =	sdelay $0x1  }
0x22: {  	s26 =	simm.s32 $0x4  }
0x23: {  	v7 =	vor.u32 s26, v3  }
0x24: {  	v8 =	vor.u32 s26, v4;
	v5 =	vshll.u32 v5, $0x7  }
0x25: {  	v6 =	vshll.u32 v6, $0x7;
	v5 =	vor.u32 v2, v5  }
0x26: {  	v6 =	vor.u32 v2, v6  }
0x27: {  	s28 =	sor.u32 s16, s19  }
0x28: {  	v9 =	vmov s28;
	v7 =	vld.idx.msk [tilespmem:v7+s3+$0x0], $0xffff  }
0x29: {  	v8 =	vld.idx.msk [tilespmem:v8+s3+$0x0], $0xffff  }
0x2a: {  	v10 =	vld.idx.msk [tilespmem:v5+s9+$0x0], $0xffff  }
0x2b: {  	s29 =	simm.s32 $0xC;
	v6 =	vld.idx.msk [tilespmem:v6+s9+$0x0], $0xffff  }
0x2c: {  	s21 =	simm.s32 $0x8;
	v11 =	vor.u32 s29, v4  }
0x2d: {  	v13 =	vor.u32 s21, v3;
	v5 =	vld.idx.msk [tilespmem:v9+s11+$0x0], $0xffff  }
0x2e: {  	v12 =	vor.u32 s29, v3  }
0x2f: {  	v7 =	vshll.u32 v7, $0x7;
	v9 =	vor.u32 s21, v4  }
0x30: {  	v8 =	vshll.u32 v8, $0x7;
	v7 =	vor.u32 v2, v7;
	v6 =	vadd.f32 v6, v10  }
0x31: {  	v11 =	vld.idx.msk [tilespmem:v11+s3+$0x0], $0xffff;
	v8 =	vor.u32 v2, v8  }
0x32: {  	v45 =	vld.idx.msk [tilespmem:v13+s3+$0x0], $0xffff;
	v6 =	vmul.f32 v6, v5  }
0x33: {  	v10 =	vld.idx.msk [tilespmem:v12+s3+$0x0], $0xffff  }
0x34: {  	v9 =	vld.idx.msk [tilespmem:v9+s3+$0x0], $0xffff;
	[tilespmem:s18+$0xFFFFFF80] =	vst v6  }
0x35: {  	v6 =	vld.idx.msk [tilespmem:v7+s9+$0x0], $0xffff  }
0x36: {  	v7 =	vld.idx.msk [tilespmem:v8+s9+$0x0], $0xffff;
	_ =	sdelay $0x1  }
0x37: {  	s30 =	simm.s32 $0x10  }
0x38: {  	v46 =	vor.u32 s30, v3  }
0x39: {  	v12 =	vshll.u32 v45, $0x7;
	v8 =	vor.u32 s30, v4  }
0x3a: {  	v9 =	vshll.u32 v9, $0x7;
	v6 =	vadd.f32 v7, v6;
	v7 =	vor.u32 v2, v12  }
0x3b: {  	v9 =	vor.u32 v2, v9  }
0x3c: {  	v6 =	vmul.f32 v6, v5  }
0x3d: {  	v47 =	vld.idx.msk [tilespmem:v46+s3+$0x0], $0xffff  }
0x3e: {  	v8 =	vld.idx.msk [tilespmem:v8+s3+$0x0], $0xffff;
	[tilespmem:s18+$0xFFFFFF90] =	vst v6  }
0x3f: {  	v6 =	vld.idx.msk [tilespmem:v7+s9+$0x0], $0xffff  }
0x40: {  	v7 =	vld.idx.msk [tilespmem:v9+s9+$0x0], $0xffff;
	_ =	sdelay $0x1  }
0x41: {  	s31 =	simm.s32 $0x14  }
0x42: {  	v9 =	vor.u32 s31, v4  }
0x43: {  	v48 =	vor.u32 s31, v3;
	v10 =	vshll.u32 v10, $0x7  }
0x44: {  	v11 =	vshll.u32 v11, $0x7;
	v6 =	vadd.f32 v7, v6;
	v7 =	vor.u32 v2, v10  }
0x45: {  	v10 =	vor.u32 v2, v11  }
0x46: {  	v6 =	vmul.f32 v6, v5  }
0x47: {  	v9 =	vld.idx.msk [tilespmem:v9+s3+$0x0], $0xffff  }
0x48: {  	v11 =	vld.idx.msk [tilespmem:v48+s3+$0x0], $0xffff;
	[tilespmem:s18+$0xFFFFFFA0] =	vst v6  }
0x49: {  	v6 =	vld.idx.msk [tilespmem:v7+s9+$0x0], $0xffff  }
0x4a: {  	v7 =	vld.idx.msk [tilespmem:v10+s9+$0x0], $0xffff;
	_ =	sdelay $0x1  }
0x4b: {  	s21 =	simm.s32 $0x18  }
0x4c: {  	v49 =	vor.u32 s21, v3  }
0x4d: {  	v12 =	vshll.u32 v47, $0x7;
	v10 =	vor.u32 s21, v4  }
0x4e: {  	v8 =	vshll.u32 v8, $0x7;
	v6 =	vadd.f32 v7, v6;
	v7 =	vor.u32 v2, v12  }
0x4f: {  	v8 =	vor.u32 v2, v8  }
0x50: {  	v6 =	vmul.f32 v6, v5  }
0x51: {  	v50 =	vld.idx.msk [tilespmem:v49+s3+$0x0], $0xffff  }
0x52: {  	v10 =	vld.idx.msk [tilespmem:v10+s3+$0x0], $0xffff;
	[tilespmem:s18+$0xFFFFFFB0] =	vst v6  }
0x53: {  	v6 =	vld.idx.msk [tilespmem:v7+s9+$0x0], $0xffff  }
0x54: {  	v7 =	vld.idx.msk [tilespmem:v8+s9+$0x0], $0xffff;
	_ =	sdelay $0x1  }
0x55: {  	s22 =	simm.s32 $0x1C  }
0x56: {  	v8 =	vor.u32 s22, v4  }
0x57: {  	v51 =	vor.u32 s22, v3;
	v11 =	vshll.u32 v11, $0x7  }
0x58: {  	v9 =	vshll.u32 v9, $0x7;
	v6 =	vadd.f32 v7, v6;
	v7 =	vor.u32 v2, v11  }
0x59: {  	v9 =	vor.u32 v2, v9  }
0x5a: {  	v6 =	vmul.f32 v6, v5  }
0x5b: {  	v8 =	vld.idx.msk [tilespmem:v8+s3+$0x0], $0xffff  }
0x5c: {  	v11 =	vld.idx.msk [tilespmem:v51+s3+$0x0], $0xffff;
	[tilespmem:s18+$0xFFFFFFC0] =	vst v6  }
0x5d: {  	v6 =	vld.idx.msk [tilespmem:v7+s9+$0x0], $0xffff  }
0x5e: {  	v7 =	vld.idx.msk [tilespmem:v9+s9+$0x0], $0xffff;
	_ =	sdelay $0x1  }
0x5f: {  	s23 =	simm.s32 $0x20  }
0x60: {  	v52 =	vor.u32 s23, v3  }
0x61: {  	v12 =	vshll.u32 v50, $0x7;
	v9 =	vor.u32 s23, v4  }
0x62: {  	v10 =	vshll.u32 v10, $0x7;
	v6 =	vadd.f32 v7, v6;
	v7 =	vor.u32 v2, v12  }
0x63: {  	v10 =	vor.u32 v2, v10  }
0x64: {  	v6 =	vmul.f32 v6, v5  }
0x65: {  	v53 =	vld.idx.msk [tilespmem:v52+s3+$0x0], $0xffff  }
0x66: {  	v9 =	vld.idx.msk [tilespmem:v9+s3+$0x0], $0xffff;
	[tilespmem:s18+$0xFFFFFFD0] =	vst v6  }
0x67: {  	v6 =	vld.idx.msk [tilespmem:v7+s9+$0x0], $0xffff  }
0x68: {  	v7 =	vld.idx.msk [tilespmem:v10+s9+$0x0], $0xffff;
	_ =	sdelay $0x1  }
0x69: {  	s24 =	simm.s32 $0x24  }
0x6a: {  	v10 =	vor.u32 s24, v4  }
0x6b: {  	v54 =	vor.u32 s24, v3;
	v11 =	vshll.u32 v11, $0x7  }
0x6c: {  	v8 =	vshll.u32 v8, $0x7;
	v6 =	vadd.f32 v7, v6;
	v7 =	vor.u32 v2, v11  }
0x6d: {  	v8 =	vor.u32 v2, v8  }
0x6e: {  	v6 =	vmul.f32 v6, v5  }
0x6f: {  	v10 =	vld.idx.msk [tilespmem:v10+s3+$0x0], $0xffff  }
0x70: {  	v11 =	vld.idx.msk [tilespmem:v54+s3+$0x0], $0xffff;
	[tilespmem:s18+$0xFFFFFFE0] =	vst v6  }
0x71: {  	v6 =	vld.idx.msk [tilespmem:v7+s9+$0x0], $0xffff  }
0x72: {  	v7 =	vld.idx.msk [tilespmem:v8+s9+$0x0], $0xffff;
	_ =	sdelay $0x1  }
0x73: {  	s25 =	simm.s32 $0x28  }
0x74: {  	v55 =	vor.u32 s25, v3  }
0x75: {  	v12 =	vshll.u32 v53, $0x7;
	v8 =	vor.u32 s25, v4  }
0x76: {  	v9 =	vshll.u32 v9, $0x7;
	v6 =	vadd.f32 v7, v6;
	v7 =	vor.u32 v2, v12  }
0x77: {  	v9 =	vor.u32 v2, v9  }
0x78: {  	v6 =	vmul.f32 v6, v5  }
0x79: {  	v56 =	vld.idx.msk [tilespmem:v55+s3+$0x0], $0xffff  }
0x7a: {  	v8 =	vld.idx.msk [tilespmem:v8+s3+$0x0], $0xffff;
	[tilespmem:s18+$0xFFFFFFF0] =	vst v6  }
0x7b: {  	v6 =	vld.idx.msk [tilespmem:v7+s9+$0x0], $0xffff  }
0x7c: {  	v7 =	vld.idx.msk [tilespmem:v9+s9+$0x0], $0xffff;
	_ =	sdelay $0x1  }
0x7d: {  	s26 =	simm.s32 $0x2C  }
0x7e: {  	v9 =	vor.u32 s26, v4  }
0x7f: {  	v57 =	vor.u32 s26, v3;
	v11 =	vshll.u32 v11, $0x7  }
0x80: {  	v10 =	vshll.u32 v10, $0x7;
	v6 =	vadd.f32 v7, v6;
	v7 =	vor.u32 v2, v11  }
0x81: {  	v10 =	vor.u32 v2, v10  }
0x82: {  	v6 =	vmul.f32 v6, v5  }
0x83: {  	v9 =	vld.idx.msk [tilespmem:v9+s3+$0x0], $0xffff  }
0x84: {  	v11 =	vld.idx.msk [tilespmem:v57+s3+$0x0], $0xffff;
	[tilespmem:s18+$0x0] =	vst v6  }
0x85: {  	v6 =	vld.idx.msk [tilespmem:v7+s9+$0x0], $0xffff  }
0x86: {  	v7 =	vld.idx.msk [tilespmem:v10+s9+$0x0], $0xffff;
	_ =	sdelay $0x1  }
0x87: {  	s28 =	simm.s32 $0x30  }
0x88: {  	v58 =	vor.u32 s28, v4  }
0x89: {  	v12 =	vshll.u32 v56, $0x7;
	v10 =	vor.u32 s28, v3  }
0x8a: {  	v8 =	vshll.u32 v8, $0x7;
	v6 =	vadd.f32 v7, v6;
	v7 =	vor.u32 v2, v12  }
0x8b: {  	v8 =	vor.u32 v2, v8  }
0x8c: {  	v6 =	vmul.f32 v6, v5  }
0x8d: {  	v59 =	vld.idx.msk [tilespmem:v58+s3+$0x0], $0xffff  }
0x8e: {  	v10 =	vld.idx.msk [tilespmem:v10+s3+$0x0], $0xffff;
	[tilespmem:s18+$0x10] =	vst v6  }
0x8f: {  	v6 =	vld.idx.msk [tilespmem:v7+s9+$0x0], $0xffff  }
0x90: {  	v7 =	vld.idx.msk [tilespmem:v8+s9+$0x0], $0xffff;
	_ =	sdelay $0x1  }
0x91: {  	s29 =	simm.s32 $0x34  }
0x92: {  	v8 =	vor.u32 s29, v3  }
0x93: {  	v60 =	vor.u32 s29, v4;
	v11 =	vshll.u32 v11, $0x7  }
0x94: {  	v9 =	vshll.u32 v9, $0x7;
	v6 =	vadd.f32 v7, v6;
	v7 =	vor.u32 v2, v11  }
0x95: {  	v9 =	vor.u32 v2, v9  }
0x96: {  	v6 =	vmul.f32 v6, v5  }
0x97: {  	v8 =	vld.idx.msk [tilespmem:v8+s3+$0x0], $0xffff  }
0x98: {  	v11 =	vld.idx.msk [tilespmem:v60+s3+$0x0], $0xffff;
	[tilespmem:s18+$0x20] =	vst v6  }
0x99: {  	v6 =	vld.idx.msk [tilespmem:v7+s9+$0x0], $0xffff  }
0x9a: {  	v7 =	vld.idx.msk [tilespmem:v9+s9+$0x0], $0xffff;
	_ =	sdelay $0x1  }
0x9b: {  	s30 =	simm.s32 $0x38  }
0x9c: {  	v61 =	vor.u32 s30, v4  }
0x9d: {  	v10 =	vshll.u32 v10, $0x7;
	v9 =	vor.u32 s30, v3  }
0x9e: {  	v12 =	vshll.u32 v59, $0x7;
	v6 =	vadd.f32 v7, v6;
	v7 =	vor.u32 v2, v10  }
0x9f: {  	v10 =	vor.u32 v2, v12  }
0xa0: {  	v6 =	vmul.f32 v6, v5  }
0xa1: {  	v62 =	vld.idx.msk [tilespmem:v61+s3+$0x0], $0xffff  }
0xa2: {  	v9 =	vld.idx.msk [tilespmem:v9+s3+$0x0], $0xffff;
	[tilespmem:s18+$0x30] =	vst v6  }
0xa3: {  	s31 =	simm.s32 $0x3C;
	v6 =	vld.idx.msk [tilespmem:v7+s9+$0x0], $0xffff  }
0xa4: {  	v63 =	vor.u32 s31, v4;
	v10 =	vld.idx.msk [tilespmem:v10+s9+$0x0], $0xffff  }
0xa5: {  	v7 =	vor.u32 s31, v3;
	_ =	sdelay $0x2  }
0xa6: {  	v8 =	vshll.u32 v8, $0x7  }
0xa7: {  	v11 =	vshll.u32 v11, $0x7;
	v8 =	vor.u32 v2, v8;
	v13 =	vld.idx.msk [tilespmem:v63+s3+$0x0], $0xffff;
	v6 =	vadd.f32 v10, v6  }
0xa8: {  	v11 =	vor.u32 v2, v11;
	v14 =	vld.idx.msk [tilespmem:v7+s3+$0x0], $0xffff  }
0xa9: {  	v6 =	vmul.f32 v6, v5;
	_ =	sdelay $0x1  }
0xaa: {  	[tilespmem:s18+$0x40] =	vst v6  }
0xab: {  	v7 =	vshll.u32 v9, $0x7;
	v10 =	vld.idx.msk [tilespmem:v8+s9+$0x0], $0xffff  }
0xac: {  	s20 =	smov.u32 s18;
	s21 =	simm.s32 $0x40;
	s22 =	smov.u32 s18;
	v9 =	vshll.u32 v62, $0x7;
	v6 =	vshll.u32 v14, $0x7;
	v8 =	vshll.u32 v13, $0x7;
	v11 =	vld.idx.msk [tilespmem:v11+s9+$0x0], $0xffff  }
.LBB2_4:
0xad: {  	p0 =	sne.s32 s21, $0x1C0  }
0xae: {  	s22 =	sadd.s32 $0x100, s22;
	s23 =	smov.u32 s21;
	s21 =	sadd.s32 $0x40, s21  }
0xaf: {  	_ =	sdelay $0x2  }
0xb0: {  	v7 =	vor.u32 v2, v7;
	v10 =	vadd.f32 v11, v10  }
0xb1: {  	v9 =	vor.u32 v2, v9  }
0xb2: {  	v10 =	vmul.f32 v10, v5;
	_ =	sdelay $0x1  }
0xb3: {  	[tilespmem:s20+$0x50] =	vst v10  }
0xb4: {  	v7 =	vld.idx.msk [tilespmem:v7+s9+$0x0], $0xffff  }
0xb5: {  	v9 =	vld.idx.msk [tilespmem:v9+s9+$0x0], $0xffff;
	_ =	sdelay $0x1  }
0xb6: {  	s24 =	sadd.s32 $0x4, s23;
	v11 =	vor.u32 s23, v4;
	v10 =	vor.u32 s23, v3  }
0xb7: {  	v12 =	vor.u32 s24, v3;
	_ =	sdelay $0x2  }
0xb8: {  	v6 =	vor.u32 v2, v6;
	v7 =	vadd.f32 v9, v7  }
0xb9: {  	v8 =	vor.u32 v2, v8  }
0xba: {  	v7 =	vmul.f32 v7, v5;
	_ =	sdelay $0x1  }
0xbb: {  	[tilespmem:s20+$0x60] =	vst v7  }
0xbc: {  	v6 =	vld.idx.msk [tilespmem:v6+s9+$0x0], $0xffff  }
0xbd: {  	v7 =	vld.idx.msk [tilespmem:v8+s9+$0x0], $0xffff;
	_ =	sdelay $0x1  }
0xbe: {  	v8 =	vor.u32 s24, v4;
	_ =	sdelay $0x3  }
0xbf: {  	v6 =	vadd.f32 v7, v6;
	_ =	sdelay $0x1  }
0xc0: {  	v6 =	vmul.f32 v6, v5;
	_ =	sdelay $0x1  }
0xc1: {  	[tilespmem:s20+$0x70] =	vst v6;
	s20 =	smov.u32 s22  }
0xc2: {  	v6 =	vld.idx.msk [tilespmem:v10+s3+$0x0], $0xffff  }
0xc3: {  	v7 =	vld.idx.msk [tilespmem:v11+s3+$0x0], $0xffff;
	_ =	sdelay $0x4  }
0xc4: {  	v6 =	vshll.u32 v6, $0x7  }
0xc5: {  	v6 =	vor.u32 v2, v6;
	v7 =	vshll.u32 v7, $0x7  }
0xc6: {  	v7 =	vor.u32 v2, v7;
	_ =	sdelay $0x1  }
0xc7: {  	v9 =	vld.idx.msk [tilespmem:v12+s3+$0x0], $0xffff  }
0xc8: {  	v8 =	vld.idx.msk [tilespmem:v8+s3+$0x0], $0xffff  }
0xc9: {  	v6 =	vld.idx.msk [tilespmem:v6+s9+$0x0], $0xffff  }
0xca: {  	s24 =	sadd.s32 $0xC, s23;
	v7 =	vld.idx.msk [tilespmem:v7+s9+$0x0], $0xffff  }
0xcb: {  	v10 =	vor.u32 s24, v4  }
0xcc: {  	s25 =	sadd.s32 $0x8, s23;
	v11 =	vor.u32 s24, v3  }
0xcd: {  	v12 =	vor.u32 s25, v4;
	v9 =	vshll.u32 v9, $0x7  }
0xce: {  	v13 =	vor.u32 s25, v3;
	v9 =	vor.u32 v2, v9;
	v8 =	vshll.u32 v8, $0x7;
	_ =	sdelay $0x1  }
0xcf: {  	v6 =	vadd.f32 v7, v6;
	v10 =	vld.idx.msk [tilespmem:v10+s3+$0x0], $0xffff  }
0xd0: {  	v8 =	vor.u32 v2, v8;
	v7 =	vld.idx.msk [tilespmem:v11+s3+$0x0], $0xffff  }
0xd1: {  	v6 =	vmul.f32 v6, v5;
	v11 =	vld.idx.msk [tilespmem:v12+s3+$0x0], $0xffff  }
0xd2: {  	v12 =	vld.idx.msk [tilespmem:v13+s3+$0x0], $0xffff  }
0xd3: {  	[tilespmem:s22+$0xFFFFFF80] =	vst v6  }
0xd4: {  	v6 =	vld.idx.msk [tilespmem:v9+s9+$0x0], $0xffff  }
0xd5: {  	v9 =	vshll.u32 v10, $0x7;
	v8 =	vld.idx.msk [tilespmem:v8+s9+$0x0], $0xffff;
	_ =	sdelay $0x1  }
0xd6: {  	s24 =	sadd.s32 $0x10, s23;
	v10 =	vshll.u32 v11, $0x7  }
0xd7: {  	v11 =	vor.u32 s24, v4  }
0xd8: {  	v13 =	vor.u32 s24, v3  }
0xd9: {  	v12 =	vshll.u32 v12, $0x7  }
0xda: {  	v6 =	vadd.f32 v8, v6;
	v8 =	vor.u32 v2, v12  }
0xdb: {  	v10 =	vor.u32 v2, v10  }
0xdc: {  	v6 =	vmul.f32 v6, v5;
	v11 =	vld.idx.msk [tilespmem:v11+s3+$0x0], $0xffff  }
0xdd: {  	v12 =	vld.idx.msk [tilespmem:v13+s3+$0x0], $0xffff  }
0xde: {  	[tilespmem:s22+$0xFFFFFF90] =	vst v6  }
0xdf: {  	v6 =	vld.idx.msk [tilespmem:v8+s9+$0x0], $0xffff  }
0xe0: {  	v8 =	vld.idx.msk [tilespmem:v10+s9+$0x0], $0xffff;
	_ =	sdelay $0x1  }
0xe1: {  	s24 =	sadd.s32 $0x14, s23;
	v10 =	vshll.u32 v11, $0x7  }
0xe2: {  	v11 =	vor.u32 s24, v4;
	v12 =	vshll.u32 v12, $0x7  }
0xe3: {  	v13 =	vor.u32 s24, v3  }
0xe4: {  	v7 =	vshll.u32 v7, $0x7  }
0xe5: {  	v7 =	vor.u32 v2, v7;
	v6 =	vadd.f32 v8, v6  }
0xe6: {  	v8 =	vor.u32 v2, v9  }
0xe7: {  	v6 =	vmul.f32 v6, v5;
	v9 =	vld.idx.msk [tilespmem:v11+s3+$0x0], $0xffff  }
0xe8: {  	v11 =	vld.idx.msk [tilespmem:v13+s3+$0x0], $0xffff  }
0xe9: {  	[tilespmem:s22+$0xFFFFFFA0] =	vst v6  }
0xea: {  	v6 =	vld.idx.msk [tilespmem:v7+s9+$0x0], $0xffff  }
0xeb: {  	v7 =	vld.idx.msk [tilespmem:v8+s9+$0x0], $0xffff;
	_ =	sdelay $0x1  }
0xec: {  	s24 =	sadd.s32 $0x18, s23;
	v8 =	vshll.u32 v9, $0x7  }
0xed: {  	v9 =	vor.u32 s24, v4;
	v11 =	vshll.u32 v11, $0x7  }
0xee: {  	v13 =	vor.u32 s24, v3;
	_ =	sdelay $0x1  }
0xef: {  	v6 =	vadd.f32 v7, v6;
	v7 =	vor.u32 v2, v12  }
0xf0: {  	v10 =	vor.u32 v2, v10  }
0xf1: {  	v6 =	vmul.f32 v6, v5;
	v9 =	vld.idx.msk [tilespmem:v9+s3+$0x0], $0xffff  }
0xf2: {  	v12 =	vld.idx.msk [tilespmem:v13+s3+$0x0], $0xffff  }
0xf3: {  	[tilespmem:s22+$0xFFFFFFB0] =	vst v6  }
0xf4: {  	v6 =	vld.idx.msk [tilespmem:v7+s9+$0x0], $0xffff  }
0xf5: {  	v7 =	vld.idx.msk [tilespmem:v10+s9+$0x0], $0xffff;
	_ =	sdelay $0x1  }
0xf6: {  	s24 =	sadd.s32 $0x1C, s23;
	v9 =	vshll.u32 v9, $0x7  }
0xf7: {  	v10 =	vor.u32 s24, v4;
	v12 =	vshll.u32 v12, $0x7  }
0xf8: {  	v13 =	vor.u32 s24, v3;
	_ =	sdelay $0x1  }
0xf9: {  	v6 =	vadd.f32 v7, v6;
	v7 =	vor.u32 v2, v11  }
0xfa: {  	v8 =	vor.u32 v2, v8  }
0xfb: {  	v6 =	vmul.f32 v6, v5;
	v10 =	vld.idx.msk [tilespmem:v10+s3+$0x0], $0xffff  }
0xfc: {  	v11 =	vld.idx.msk [tilespmem:v13+s3+$0x0], $0xffff  }
0xfd: {  	[tilespmem:s22+$0xFFFFFFC0] =	vst v6  }
0xfe: {  	v6 =	vld.idx.msk [tilespmem:v7+s9+$0x0], $0xffff  }
0xff: {  	v7 =	vld.idx.msk [tilespmem:v8+s9+$0x0], $0xffff;
	_ =	sdelay $0x1  }
0x100: {  	s24 =	sadd.s32 $0x20, s23  }
0x101: {  	v8 =	vor.u32 s24, v4;
	v11 =	vshll.u32 v11, $0x7  }
0x102: {  	v13 =	vor.u32 s24, v3;
	_ =	sdelay $0x1  }
0x103: {  	v6 =	vadd.f32 v7, v6;
	v7 =	vor.u32 v2, v12  }
0x104: {  	v9 =	vor.u32 v2, v9  }
0x105: {  	v6 =	vmul.f32 v6, v5;
	v8 =	vld.idx.msk [tilespmem:v8+s3+$0x0], $0xffff  }
0x106: {  	v12 =	vld.idx.msk [tilespmem:v13+s3+$0x0], $0xffff  }
0x107: {  	[tilespmem:s22+$0xFFFFFFD0] =	vst v6  }
0x108: {  	v6 =	vld.idx.msk [tilespmem:v7+s9+$0x0], $0xffff  }
0x109: {  	v7 =	vld.idx.msk [tilespmem:v9+s9+$0x0], $0xffff;
	_ =	sdelay $0x1  }
0x10a: {  	s24 =	sadd.s32 $0x24, s23;
	v8 =	vshll.u32 v8, $0x7  }
0x10b: {  	v9 =	vor.u32 s24, v4;
	v12 =	vshll.u32 v12, $0x7  }
0x10c: {  	v13 =	vor.u32 s24, v3;
	_ =	sdelay $0x1  }
0x10d: {  	v10 =	vshll.u32 v10, $0x7;
	v6 =	vadd.f32 v7, v6;
	v7 =	vor.u32 v2, v11  }
0x10e: {  	v10 =	vor.u32 v2, v10  }
0x10f: {  	v6 =	vmul.f32 v6, v5;
	v9 =	vld.idx.msk [tilespmem:v9+s3+$0x0], $0xffff  }
0x110: {  	v11 =	vld.idx.msk [tilespmem:v13+s3+$0x0], $0xffff  }
0x111: {  	[tilespmem:s22+$0xFFFFFFE0] =	vst v6  }
0x112: {  	v6 =	vld.idx.msk [tilespmem:v7+s9+$0x0], $0xffff  }
0x113: {  	v7 =	vld.idx.msk [tilespmem:v10+s9+$0x0], $0xffff;
	_ =	sdelay $0x1  }
0x114: {  	s24 =	sadd.s32 $0x28, s23;
	v9 =	vshll.u32 v9, $0x7  }
0x115: {  	v10 =	vor.u32 s24, v4;
	v11 =	vshll.u32 v11, $0x7  }
0x116: {  	v13 =	vor.u32 s24, v3;
	_ =	sdelay $0x1  }
0x117: {  	v6 =	vadd.f32 v7, v6;
	v7 =	vor.u32 v2, v12  }
0x118: {  	v8 =	vor.u32 v2, v8  }
0x119: {  	v6 =	vmul.f32 v6, v5;
	v10 =	vld.idx.msk [tilespmem:v10+s3+$0x0], $0xffff  }
0x11a: {  	v12 =	vld.idx.msk [tilespmem:v13+s3+$0x0], $0xffff  }
0x11b: {  	[tilespmem:s22+$0xFFFFFFF0] =	vst v6  }
0x11c: {  	v6 =	vld.idx.msk [tilespmem:v7+s9+$0x0], $0xffff  }
0x11d: {  	v7 =	vld.idx.msk [tilespmem:v8+s9+$0x0], $0xffff;
	_ =	sdelay $0x1  }
0x11e: {  	s24 =	sadd.s32 $0x2C, s23  }
0x11f: {  	v8 =	vor.u32 s24, v4  }
0x120: {  	v13 =	vor.u32 s24, v3;
	_ =	sdelay $0x1  }
0x121: {  	v6 =	vadd.f32 v7, v6;
	v7 =	vor.u32 v2, v11  }
0x122: {  	v9 =	vor.u32 v2, v9;
	s24 =	sadd.s32 $0x30, s23  }
0x123: {  	v11 =	vor.u32 s24, v3;
	v6 =	vmul.f32 v6, v5;
	v8 =	vld.idx.msk [tilespmem:v8+s3+$0x0], $0xffff  }
0x124: {  	v14 =	vor.u32 s24, v4;
	v13 =	vld.idx.msk [tilespmem:v13+s3+$0x0], $0xffff  }
0x125: {  	[tilespmem:s22+$0x0] =	vst v6  }
0x126: {  	v6 =	vld.idx.msk [tilespmem:v7+s9+$0x0], $0xffff  }
0x127: {  	v7 =	vld.idx.msk [tilespmem:v9+s9+$0x0], $0xffff  }
0x128: {  	v9 =	vld.idx.msk [tilespmem:v11+s3+$0x0], $0xffff  }
0x129: {  	v8 =	vshll.u32 v8, $0x7;
	v11 =	vld.idx.msk [tilespmem:v14+s3+$0x0], $0xffff  }
0x12a: {  	v13 =	vshll.u32 v13, $0x7;
	_ =	sdelay $0x1  }
0x12b: {  	v12 =	vshll.u32 v12, $0x7  }
0x12c: {  	v10 =	vshll.u32 v10, $0x7;
	v6 =	vadd.f32 v7, v6;
	v7 =	vor.u32 v2, v12  }
0x12d: {  	v10 =	vor.u32 v2, v10;
	s24 =	sadd.s32 $0x34, s23;
	v9 =	vshll.u32 v9, $0x7  }
0x12e: {  	v12 =	vor.u32 s24, v3;
	v6 =	vmul.f32 v6, v5;
	v11 =	vshll.u32 v11, $0x7  }
0x12f: {  	v14 =	vor.u32 s24, v4  }
0x130: {  	[tilespmem:s22+$0x10] =	vst v6  }
0x131: {  	v6 =	vld.idx.msk [tilespmem:v7+s9+$0x0], $0xffff  }
0x132: {  	v7 =	vld.idx.msk [tilespmem:v10+s9+$0x0], $0xffff  }
0x133: {  	v10 =	vld.idx.msk [tilespmem:v12+s3+$0x0], $0xffff  }
0x134: {  	v12 =	vld.idx.msk [tilespmem:v14+s3+$0x0], $0xffff;
	_ =	sdelay $0x3  }
0x135: {  	v6 =	vadd.f32 v7, v6;
	v7 =	vor.u32 v2, v13  }
0x136: {  	v8 =	vor.u32 v2, v8;
	s24 =	sadd.s32 $0x38, s23;
	v10 =	vshll.u32 v10, $0x7  }
0x137: {  	v13 =	vor.u32 s24, v3;
	v6 =	vmul.f32 v6, v5;
	v12 =	vshll.u32 v12, $0x7  }
0x138: {  	v14 =	vor.u32 s24, v4  }
0x139: {  	[tilespmem:s22+$0x20] =	vst v6  }
0x13a: {  	v6 =	vld.idx.msk [tilespmem:v7+s9+$0x0], $0xffff  }
0x13b: {  	v7 =	vld.idx.msk [tilespmem:v8+s9+$0x0], $0xffff  }
0x13c: {  	v8 =	vld.idx.msk [tilespmem:v13+s3+$0x0], $0xffff  }
0x13d: {  	v13 =	vld.idx.msk [tilespmem:v14+s3+$0x0], $0xffff;
	_ =	sdelay $0x3  }
0x13e: {  	v14 =	vor.u32 v2, v9;
	v6 =	vadd.f32 v7, v6  }
0x13f: {  	s23 =	sadd.s32 $0x3C, s23;
	v11 =	vor.u32 v2, v11;
	v7 =	vshll.u32 v8, $0x7  }
0x140: {  	v8 =	vor.u32 s23, v3;
	v6 =	vmul.f32 v6, v5;
	v9 =	vshll.u32 v13, $0x7  }
0x141: {  	v13 =	vor.u32 s23, v4  }
0x142: {  	[tilespmem:s22+$0x30] =	vst v6  }
0x143: {  	v6 =	vld.idx.msk [tilespmem:v14+s9+$0x0], $0xffff  }
0x144: {  	v11 =	vld.idx.msk [tilespmem:v11+s9+$0x0], $0xffff  }
0x145: {  	v8 =	vld.idx.msk [tilespmem:v8+s3+$0x0], $0xffff  }
0x146: {  	v13 =	vld.idx.msk [tilespmem:v13+s3+$0x0], $0xffff;
	_ =	sdelay $0x3  }
0x147: {  	v10 =	vor.u32 v2, v10;
	v11 =	vadd.f32 v11, v6  }
0x148: {  	v12 =	vor.u32 v2, v12;
	v6 =	vshll.u32 v8, $0x7  }
.Ltmp0:
0x149: {  	v11 =	vmul.f32 v11, v5;
	v8 =	vshll.u32 v13, $0x7;
	(pc) =	sbr.rel @p0 .LBB2_4-.Ltmp0, $4  }
0x14a: {  	_ = 	snop  }
0x14b: {  	[tilespmem:s22+$0x40] =	vst v11  }
0x14c: {  	v10 =	vld.idx.msk [tilespmem:v10+s9+$0x0], $0xffff  }
0x14d: {  	v11 =	vld.idx.msk [tilespmem:v12+s9+$0x0], $0xffff  }
0x14e: {  	_ =	sdelay $0x3  }
0x14f: {  	v4 =	vor.u32 v2, v7;
	v3 =	vadd.f32 v11, v10  }
0x150: {  	v59 =	vor.u32 v2, v9  }
0x151: {  	v3 =	vmul.f32 v3, v5;
	_ =	sdelay $0x1  }
0x152: {  	[tilespmem:s20+$0x50] =	vst v3  }
0x153: {  	v3 =	vld.idx.msk [tilespmem:v4+s9+$0x0], $0xffff  }
0x154: {  	v60 =	vld.idx.msk [tilespmem:v59+s9+$0x0], $0xffff;
	_ =	sdelay $0x4  }
0x155: {  	v61 =	vor.u32 v2, v6;
	v3 =	vadd.f32 v60, v3  }
0x156: {  	v62 =	vor.u32 v2, v8  }
0x157: {  	v3 =	vmul.f32 v3, v5;
	_ =	sdelay $0x1  }
0x158: {  	[tilespmem:s20+$0x60] =	vst v3  }
0x159: {  	v3 =	vld.idx.msk [tilespmem:v61+s9+$0x0], $0xffff  }
0x15a: {  	v63 =	vld.idx.msk [tilespmem:v62+s9+$0x0], $0xffff;
	_ =	sdelay $0x2  }
0x15b: {  	s19 =	sadd.s32 $0x1, s19  }
0x15c: {  	p0 =	sne.s32 s19, $0x10  }
.Ltmp1:
0x15d: {  	v3 =	vadd.f32 v63, v3;
	(pc) =	sbr.rel @p0 .LBB2_3-.Ltmp1, $3  }
0x15e: {  	_ = 	snop  }
0x15f: {  	v3 =	vmul.f32 v3, v5;
	_ =	sdelay $0x1  }
0x160: {  	s18 =	sadd.s32 $0x800, s18;
	[tilespmem:s20+$0x70] =	vst v3  }
0x161: {  	s14 =	sadd.s32 $0x1, s14  }
0x162: {  	s15 =	sshll.u32 s15, $0x8;
	p0 =	sne.s32 s14, $0x4  }
.Ltmp2:
0x163: {  	s15 =	sadd.s32 s2, s15;
	(pc) =	sbr.rel @p0 .LBB2_2-.Ltmp2, $4  }
0x164: {  	[hbm4b:s15+s3] =	stream.linear.scatter [tilespmem:s12], [sflag:$0x1], $0x8000, $0x38;
	[tilespmem:$0x1A080] =	vst v63  }
0x165: {  	_ =	swait.ge [sflag:s10], $0x8000  }
0x166: {  	[sflag:s10] =	ssyncset.done $0x0  }
0x167: {  	[sflag:s10] =	ssyncadd.s32 $0xFFFF8000  }
0x168: {  	s13 =	sadd.s32 $0x1, s13  }
0x169: {  	p0 =	sne.s32 s13, s8  }
.Ltmp3:
0x16a: {  	_ = 	snop;
	(pc) =	sbr.rel @p0 .LBB2_1-.Ltmp3, $1  }
0x16b: {  	_ =	sdelay $0x3  }
0x16c: {  	_ =	sfence.sel $0x180000  }
0x16d: {  	[bflag:$0x0] =	sbarrier.arrive $0xFFFF  }
0x16e: {  	p0 =	sne.s32 s1, $0x0;
	_ =	strace $0x90000047  }
0x16f: {  	s0 =	sadd.s32 @!p0 $0x100000, s0;
	[bflag:$0x2] =	sbarrier.arrive $0xFFFF  }
0x170: {  	[sflag:s0] =	ssyncadd.tile.s32 @!p0 $0x1;
	_ =	shalt  }
.Lfunc_end2:
_tile_overlayer_lowered:
.L_overlay_start_2:
0x171: {  	(tag) =	ssettag $0x2  }
0x172: {  	s0 =	rddreg [dreg:$0x0];
	s2 =	stileid.u32  }
0x173: {  	s1 =	rddreg [dreg:$0x1];
	p0 =	sne.s32 s2, $0x0  }
0x174: {  	s3 =	rddreg [dreg:$0x2];
	[bflag:$0x3] =	sbarrier.arrive $0xFFFF;
	s2 =	simm.s32 @!p0 $0x1C01  }
0x175: {  	[timem:s3], [sflag:s2] =	dma.local @!p0 [hbm:s0], s1  }
0x176: {  	s0 =	simm.s32 @!p0 $0x1  }
0x177: {  	_ =	swait.ge @!p0 [sflag:s0], s1  }
0x178: {  	s1 =	ssub.s32 @!p0 $0x0, s1;
	[sflag:s0] =	ssyncset.done @!p0 $0x0  }
0x179: {  	[sflag:s0] =	ssyncadd.s32 @!p0 s1  }
0x17a: {  	[bflag:$0x3] =	sbarrier.arrive $0xFFFF  }
0x17b: {  	_ =	shalt  }

</sc_bundles>
